<compile_context>
chip_gen: v7x
topology: tpu7x:2x2x1
jax: 0.10.2.dev20260603
libtpu: 0.0.44.dev20260713+nightly
codegen_flags: <defaults>
</compile_context>

<pallas_src>
import dataclasses
import functools

import jax
import jax.numpy as jnp
from jax import lax
from jax.experimental import pallas as pl
from jax.experimental.pallas import tpu as pltpu
from jax.experimental.pallas import tpu_sc as plsc

N = 10000
E = 320000
F_IN = 128
H1 = 8
C1 = 8
D1 = H1 * C1
C2 = 7

NC = 2
NS = 16
NW = NC * NS
EPW = E // NW
EB = 80
NB = EPW // EB
RPT = 624

AW1 = 80
AW2 = 16

_LEAK = 0.2
_BIG = 1e30


def _sc_compiler_params():
    cp = pltpu.CompilerParams()
    fields = pltpu.CompilerParams.__dataclass_fields__
    if "needs_layout_passes" in fields:
        cp = dataclasses.replace(cp, needs_layout_passes=False)
    if "use_tc_tiling_on_sc" in fields:
        cp = dataclasses.replace(cp, use_tc_tiling_on_sc=False)
    return cp



def _tc_a_body(x_ref, w1_ref, as_ref, ad_ref, th_ref, tasd_ref, g_ref, gv_ref):
    i = pl.program_id(0)
    ng = pl.num_programs(0)
    h = jnp.dot(x_ref[...], w1_ref[...], preferred_element_type=jnp.float32)
    th_ref[...] = h
    a_s = jnp.dot(h, as_ref[...], preferred_element_type=jnp.float32)
    a_d = jnp.dot(h, ad_ref[...], preferred_element_type=jnp.float32)
    tasd_ref[...] = jnp.concatenate([a_s, a_d], axis=1)
    bmax = jnp.concatenate(
        [jnp.max(a_s, axis=0, keepdims=True), jnp.max(a_d, axis=0, keepdims=True)],
        axis=1)

    @pl.when(i == 0)
    def _():
        g_ref[...] = bmax

    @pl.when(i > 0)
    def _():
        g_ref[...] = jnp.maximum(g_ref[...], bmax)

    @pl.when(i == ng - 1)
    def _():
        gp = g_ref[...]
        g8 = gp[:, :H1] + gp[:, H1:]
        gv_ref[...] = jnp.concatenate(
            [g8, jnp.full((1, 8), _BIG, jnp.float32)], axis=1)


def _tc_a(x, w1, a_s_fold, a_d_fold, rows):
    grid = (N // rows,)
    return pl.pallas_call(
        _tc_a_body,
        grid=grid,
        in_specs=[
            pl.BlockSpec((rows, F_IN), lambda i: (i, 0)),
            pl.BlockSpec((F_IN, D1), lambda i: (0, 0)),
            pl.BlockSpec((D1, H1), lambda i: (0, 0)),
            pl.BlockSpec((D1, H1), lambda i: (0, 0)),
        ],
        out_specs=[
            pl.BlockSpec((rows, D1), lambda i: (i, 0)),
            pl.BlockSpec((rows, 2 * H1), lambda i: (i, 0)),
            pl.BlockSpec((1, 16), lambda i: (0, 0)),
            pl.BlockSpec((1, 16), lambda i: (0, 0)),
        ],
        out_shape=[
            jax.ShapeDtypeStruct((N, D1), jnp.float32),
            jax.ShapeDtypeStruct((N, 2 * H1), jnp.float32),
            jax.ShapeDtypeStruct((1, 16), jnp.float32),
            jax.ShapeDtypeStruct((1, 16), jnp.float32),
        ],
    )(x, w1, a_s_fold, a_d_fold)



def _sc1_body(src_hbm, dst_hbm, th_hbm, tasd_hbm, z80_hbm, gv_hbm, out_hbm,
              th_sp, tasd_sp, acc_sp, sidx, didx, sbuf, dbuf, hbuf, msg, gbuf):
    cid = lax.axis_index("c")
    sid = lax.axis_index("s")
    wid = cid * NS + sid
    r0 = sid * RPT
    pltpu.sync_copy(th_hbm.at[pl.ds(r0, RPT)], th_sp.at[pl.ds(r0, RPT)])
    pltpu.sync_copy(tasd_hbm.at[pl.ds(r0, RPT)], tasd_sp.at[pl.ds(r0, RPT)])
    pltpu.sync_copy(z80_hbm.at[pl.ds(r0, RPT)], acc_sp.at[pl.ds(r0, RPT)])
    pltpu.sync_copy(gv_hbm, gbuf)

    @pl.when(sid == NS - 1)
    def _():
        rr = NS * RPT
        nr = N - rr
        pltpu.sync_copy(th_hbm.at[pl.ds(rr, nr)], th_sp.at[pl.ds(rr, nr)])
        pltpu.sync_copy(tasd_hbm.at[pl.ds(rr, nr)], tasd_sp.at[pl.ds(rr, nr)])
        pltpu.sync_copy(z80_hbm.at[pl.ds(rr, nr)], acc_sp.at[pl.ds(rr, nr)])

    plsc.subcore_barrier()

    gv = gbuf[...]
    iota = lax.iota(jnp.int32, 16)
    rot8 = (iota + 8) & 15
    ebase = wid * EPW

    @pl.loop(0, NB)
    def _blk(blk):
        off = ebase + blk * EB
        pltpu.sync_copy(src_hbm.at[pl.ds(off, EB)], sidx)
        pltpu.sync_copy(dst_hbm.at[pl.ds(off, EB)], didx)
        pltpu.sync_copy(tasd_sp.at[sidx], sbuf)
        pltpu.sync_copy(tasd_sp.at[didx], dbuf)
        pltpu.sync_copy(th_sp.at[sidx], hbuf)

        @pl.loop(0, EB)
        def _e(e):
            efull = jnp.full((16,), e, jnp.int32)
            u = sbuf[e, :]
            vg = plsc.load_gather(dbuf, [efull, rot8])
            t = u + vg
            lk = jnp.maximum(t, _LEAK * t)
            ex = jnp.exp(lk - gv)
            msg[e, pl.ds(D1, 16)] = ex
            for k in range(4):
                bidx = D1 + (iota >> 3) + 2 * k
                exb = plsc.load_gather(msg, [efull, bidx])
                msg[e, pl.ds(16 * k, 16)] = exb * hbuf[e, pl.ds(16 * k, 16)]

        pltpu.sync_copy(msg, acc_sp.at[didx], add=True)

    plsc.subcore_barrier()
    pltpu.sync_copy(acc_sp.at[pl.ds(r0, RPT)], out_hbm.at[cid, pl.ds(r0, RPT)])

    @pl.when(sid == NS - 1)
    def _():
        rr = NS * RPT
        nr = N - rr
        pltpu.sync_copy(acc_sp.at[pl.ds(rr, nr)], out_hbm.at[cid, pl.ds(rr, nr)])


def _sc1(src, dst, th, tasd, z80, gv):
    mesh = plsc.VectorSubcoreMesh(core_axis_name="c", subcore_axis_name="s")
    kern = functools.partial(
        pl.kernel,
        out_type=jax.ShapeDtypeStruct((NC, N, AW1), jnp.float32),
        mesh=mesh,
        compiler_params=_sc_compiler_params(),
        scratch_types=[
            pltpu.VMEM_SHARED((N, D1), jnp.float32),
            pltpu.VMEM_SHARED((N, 2 * H1), jnp.float32),
            pltpu.VMEM_SHARED((N, AW1), jnp.float32),
            pltpu.VMEM((EB,), jnp.int32),
            pltpu.VMEM((EB,), jnp.int32),
            pltpu.VMEM((EB, 16), jnp.float32),
            pltpu.VMEM((EB, 16), jnp.float32),
            pltpu.VMEM((EB, D1), jnp.float32),
            pltpu.VMEM((EB, AW1), jnp.float32),
            pltpu.VMEM((16,), jnp.float32),
        ],
    )(_sc1_body)
    return kern(src, dst, th, tasd, z80, gv)



def _tc_b_body(acc_ref, th_ref, tasd_ref, gv_ref, b1_ref, w2p_ref, p_ref,
               t2_ref, g2_ref, g2v_ref):
    i = pl.program_id(0)
    ng = pl.num_programs(0)
    a0 = acc_ref[0]
    a1 = acc_ref[1]
    msum = a0[:, :D1] + a1[:, :D1]
    dsum = a0[:, D1:D1 + H1] + a1[:, D1:D1 + H1]
    asd = tasd_ref[...]
    a_s = asd[:, :H1]
    a_d = asd[:, H1:]
    t = a_s + a_d
    lk = jnp.maximum(t, _LEAK * t)
    g8 = gv_ref[0, :H1]
    ex = jnp.exp(lk - g8[None, :])
    h1v = th_ref[...]
    p = p_ref[...]
    msg = msum + jnp.dot(ex, p, preferred_element_type=jnp.float32) * h1v
    den = jnp.dot(dsum + ex, p, preferred_element_type=jnp.float32)
    o1 = msg / (den + 1e-16) + b1_ref[...]
    h1r = jnp.maximum(o1, 0.0)
    t2 = jnp.dot(h1r, w2p_ref[...], preferred_element_type=jnp.float32)
    t2_ref[...] = t2
    bmax = jnp.max(t2, axis=0, keepdims=True)

    @pl.when(i == 0)
    def _():
        g2_ref[...] = bmax

    @pl.when(i > 0)
    def _():
        g2_ref[...] = jnp.maximum(g2_ref[...], bmax)

    @pl.when(i == ng - 1)
    def _():
        gp = g2_ref[...]
        g2 = gp[0, C2] + gp[0, C2 + 1]
        g2v_ref[...] = jnp.full((1, 16), g2, jnp.float32)


def _tc_b(acc, th, tasd, gv, b1r, w2p, p, rows):
    grid = (N // rows,)
    return pl.pallas_call(
        _tc_b_body,
        grid=grid,
        in_specs=[
            pl.BlockSpec((NC, rows, AW1), lambda i: (0, i, 0)),
            pl.BlockSpec((rows, D1), lambda i: (i, 0)),
            pl.BlockSpec((rows, 2 * H1), lambda i: (i, 0)),
            pl.BlockSpec((1, 16), lambda i: (0, 0)),
            pl.BlockSpec((1, D1), lambda i: (0, 0)),
            pl.BlockSpec((D1, 16), lambda i: (0, 0)),
            pl.BlockSpec((H1, D1), lambda i: (0, 0)),
        ],
        out_specs=[
            pl.BlockSpec((rows, 16), lambda i: (i, 0)),
            pl.BlockSpec((1, 16), lambda i: (0, 0)),
            pl.BlockSpec((1, 16), lambda i: (0, 0)),
        ],
        out_shape=[
            jax.ShapeDtypeStruct((N, 16), jnp.float32),
            jax.ShapeDtypeStruct((1, 16), jnp.float32),
            jax.ShapeDtypeStruct((1, 16), jnp.float32),
        ],
    )(acc, th, tasd, gv, b1r, w2p, p)



def _sc2_body(src_hbm, dst_hbm, t2_hbm, z16_hbm, g2v_hbm, out_hbm,
              t2_sp, acc_sp, sidx, didx, ubuf, vbuf, msg, gbuf):
    cid = lax.axis_index("c")
    sid = lax.axis_index("s")
    wid = cid * NS + sid
    r0 = sid * RPT
    pltpu.sync_copy(t2_hbm.at[pl.ds(r0, RPT)], t2_sp.at[pl.ds(r0, RPT)])
    pltpu.sync_copy(z16_hbm.at[pl.ds(r0, RPT)], acc_sp.at[pl.ds(r0, RPT)])
    pltpu.sync_copy(g2v_hbm, gbuf)

    @pl.when(sid == NS - 1)
    def _():
        rr = NS * RPT
        nr = N - rr
        pltpu.sync_copy(t2_hbm.at[pl.ds(rr, nr)], t2_sp.at[pl.ds(rr, nr)])
        pltpu.sync_copy(z16_hbm.at[pl.ds(rr, nr)], acc_sp.at[pl.ds(rr, nr)])

    plsc.subcore_barrier()

    gv = gbuf[...]
    iota = lax.iota(jnp.int32, 16)
    i7 = jnp.full((16,), C2, jnp.int32)
    i8 = jnp.full((16,), C2 + 1, jnp.int32)
    ebase = wid * EPW

    @pl.loop(0, NB)
    def _blk(blk):
        off = ebase + blk * EB
        pltpu.sync_copy(src_hbm.at[pl.ds(off, EB)], sidx)
        pltpu.sync_copy(dst_hbm.at[pl.ds(off, EB)], didx)
        pltpu.sync_copy(t2_sp.at[sidx], ubuf)
        pltpu.sync_copy(t2_sp.at[didx], vbuf)

        @pl.loop(0, EB)
        def _e(e):
            efull = jnp.full((16,), e, jnp.int32)
            u = ubuf[e, :]
            bu = plsc.load_gather(ubuf, [efull, i7])
            bv = plsc.load_gather(vbuf, [efull, i8])
            t = bu + bv
            lk = jnp.maximum(t, _LEAK * t)
            ex = jnp.exp(lk - gv)
            m = jnp.where(iota < C2, ex * u,
                          jnp.where(iota == C2, ex, jnp.zeros_like(ex)))
            msg[e, :] = m

        pltpu.sync_copy(msg, acc_sp.at[didx], add=True)

    plsc.subcore_barrier()
    pltpu.sync_copy(acc_sp.at[pl.ds(r0, RPT)], out_hbm.at[cid, pl.ds(r0, RPT)])

    @pl.when(sid == NS - 1)
    def _():
        rr = NS * RPT
        nr = N - rr
        pltpu.sync_copy(acc_sp.at[pl.ds(rr, nr)], out_hbm.at[cid, pl.ds(rr, nr)])


def _sc2(src, dst, t2, z16, g2v):
    mesh = plsc.VectorSubcoreMesh(core_axis_name="c", subcore_axis_name="s")
    kern = functools.partial(
        pl.kernel,
        out_type=jax.ShapeDtypeStruct((NC, N, AW2), jnp.float32),
        mesh=mesh,
        compiler_params=_sc_compiler_params(),
        scratch_types=[
            pltpu.VMEM_SHARED((N, 16), jnp.float32),
            pltpu.VMEM_SHARED((N, AW2), jnp.float32),
            pltpu.VMEM((EB,), jnp.int32),
            pltpu.VMEM((EB,), jnp.int32),
            pltpu.VMEM((EB, 16), jnp.float32),
            pltpu.VMEM((EB, 16), jnp.float32),
            pltpu.VMEM((EB, AW2), jnp.float32),
            pltpu.VMEM((16,), jnp.float32),
        ],
    )(_sc2_body)
    return kern(src, dst, t2, z16, g2v)



def _tc_c_body(acc_ref, t2_ref, g2v_ref, b2_ref, out_ref):
    a = acc_ref[0] + acc_ref[1]
    t2 = t2_ref[...]
    rows = t2.shape[0]
    a_s2 = t2[:, C2:C2 + 1]
    a_d2 = t2[:, C2 + 1:C2 + 2]
    t = a_s2 + a_d2
    lk = jnp.maximum(t, _LEAK * t)
    g2 = g2v_ref[0, 0]
    ex = jnp.exp(lk - g2)
    lane = lax.broadcasted_iota(jnp.int32, (rows, 16), 1)
    contrib = jnp.where(lane < C2, ex * t2,
                        jnp.where(lane == C2, jnp.broadcast_to(ex, (rows, 16)),
                                  0.0))
    tot = a + contrib
    den = tot[:, C2:C2 + 1]
    o = tot / (den + 1e-16) + b2_ref[...]
    om = jnp.where(lane < C2, o, -1e30)
    m = jnp.max(om, axis=1, keepdims=True)
    z = jnp.exp(om - m)
    s = jnp.sum(z, axis=1, keepdims=True)
    ls = om - m - jnp.log(s)
    out_ref[...] = ls[:, :C2]


def _tc_c(acc2, t2, g2v, b2r, rows):
    grid = (N // rows,)
    return pl.pallas_call(
        _tc_c_body,
        grid=grid,
        in_specs=[
            pl.BlockSpec((NC, rows, AW2), lambda i: (0, i, 0)),
            pl.BlockSpec((rows, 16), lambda i: (i, 0)),
            pl.BlockSpec((1, 16), lambda i: (0, 0)),
            pl.BlockSpec((1, 16), lambda i: (0, 0)),
        ],
        out_specs=pl.BlockSpec((rows, C2), lambda i: (i, 0)),
        out_shape=jax.ShapeDtypeStruct((N, C2), jnp.float32),
    )(acc2, t2, g2v, b2r)



def kernel(x, edge_index, W1, att_src1, att_dst1, b1, W2, att_src2, att_dst2, b2):
    src = edge_index[0].astype(jnp.int32)
    dst = edge_index[1].astype(jnp.int32)

    eye8 = jnp.eye(H1, dtype=jnp.float32)
    a_s_fold = (att_src1[:, :, None] * eye8[:, None, :]).reshape(D1, H1)
    a_d_fold = (att_dst1[:, :, None] * eye8[:, None, :]).reshape(D1, H1)
    p = jnp.repeat(eye8, C1, axis=1)
    vs = W2 @ att_src2[0]
    vd = W2 @ att_dst2[0]
    w2p = jnp.concatenate(
        [W2, vs[:, None], vd[:, None], jnp.zeros((D1, 16 - C2 - 2), jnp.float32)],
        axis=1)
    b1r = b1.reshape(1, D1)
    b2r = jnp.concatenate([b2, jnp.zeros((16 - C2,), jnp.float32)]).reshape(1, 16)

    z80 = jnp.zeros((N, AW1), jnp.float32)
    z16 = jnp.zeros((N, AW2), jnp.float32)

    th, tasd, _gpair, gv = _tc_a(x, W1, a_s_fold, a_d_fold, rows=1000)
    gv1 = gv.reshape(16)
    acc = _sc1(src, dst, th, tasd, z80, gv1)
    t2, _g2pair, g2v = _tc_b(acc, th, tasd, gv, b1r, w2p, p, rows=1000)
    acc2 = _sc2(src, dst, t2, z16, g2v.reshape(16))
    out = _tc_c(acc2, t2, g2v, b2r, rows=1000)
    return out

# --- scband reference (transcript-rebuilt; emitter-appended) ---
"""Pipeline reference for scband-gatnet-32066225832230 (READ-ONLY COPY).

The authoritative reference and input builder live on the scoring server;
editing this copy changes nothing except your own understanding.
"""

import jax, jax.numpy as jnp
import numpy as np


def _gat_conv(x, edge_index, W, att_src, att_dst, bias, heads, out_ch):
    # Faithful PyG GATConv: add self-loops, per-head linear, additive attention,
    # leaky_relu, softmax over incoming edges (grouped by dst), weighted scatter-add.
    N = x.shape[0]
    loops = jnp.arange(N, dtype=edge_index.dtype)
    ei = jnp.concatenate([edge_index, jnp.stack([loops, loops])], axis=1)
    src, dst = ei[0], ei[1]
    h = (x @ W).reshape(N, heads, out_ch)            # [N, H, C]
    a_s = (h * att_src[None]).sum(-1)                # [N, H]
    a_d = (h * att_dst[None]).sum(-1)                # [N, H]
    e = a_s[src] + a_d[dst]                          # [E, H]
    e = jax.nn.leaky_relu(e, negative_slope=0.2)
    e_max = jax.ops.segment_max(e, dst, num_segments=N)
    ex = jnp.exp(e - e_max[dst])
    denom = jax.ops.segment_sum(ex, dst, num_segments=N)
    alpha = ex / (denom[dst] + 1e-16)                # [E, H]
    msg = h[src] * alpha[..., None]                  # [E, H, C]
    out = jax.ops.segment_sum(msg, dst, num_segments=N)
    return out.reshape(N, heads * out_ch) + bias


def setup_inputs(seed: int = 0) -> dict:
    key = jax.random.key(seed)
    ks = jax.random.split(key, 10)
    N, E, F_in, hidden, heads, C = 10000, 320000, 128, 8, 8, 7
    x = jax.random.normal(ks[0], (N, F_in), dtype=jnp.float32)
    edge_index = jax.random.randint(ks[1], (2, E), 0, N)
    # layer 1: GATConv(128, 8, heads=8) -> 64
    W1 = jax.random.normal(ks[2], (F_in, heads * hidden), dtype=jnp.float32) * 0.1
    att_src1 = jax.random.normal(ks[3], (heads, hidden), dtype=jnp.float32) * 0.1
    att_dst1 = jax.random.normal(ks[4], (heads, hidden), dtype=jnp.float32) * 0.1
    b1 = jnp.zeros((heads * hidden,), dtype=jnp.float32)
    # layer 2: GATConv(64, 7) heads=1
    W2 = jax.random.normal(ks[5], (heads * hidden, C), dtype=jnp.float32) * 0.1
    att_src2 = jax.random.normal(ks[6], (1, C), dtype=jnp.float32) * 0.1
    att_dst2 = jax.random.normal(ks[7], (1, C), dtype=jnp.float32) * 0.1
    b2 = jnp.zeros((C,), dtype=jnp.float32)
    return {"x": x, "edge_index": edge_index, "W1": W1, "att_src1": att_src1,
            "att_dst1": att_dst1, "b1": b1, "W2": W2, "att_src2": att_src2,
            "att_dst2": att_dst2, "b2": b2}


def reference(x, edge_index, W1, att_src1, att_dst1, b1, W2, att_src2, att_dst2, b2):
    h = _gat_conv(x, edge_index, W1, att_src1, att_dst1, b1, heads=8, out_ch=8)
    h = jax.nn.relu(h)
    # dropout p=0.5 is identity in eval mode (training=False)
    out = _gat_conv(h, edge_index, W2, att_src2, att_dst2, b2, heads=1, out_ch=7)
    return jax.nn.log_softmax(out, axis=1)

if __name__ == "__main__":
    import jax
    _d = setup_inputs()
    print(jax.jit(kernel)(*tuple(_d.values())))

</pallas_src>

<mosaic_0001>
#map = affine_map<(d0, d1) -> (0)>
#map1 = affine_map<(d0, d1) -> (0, 0)>
#map2 = affine_map<(d0, d1) -> (0, 0, 0)>
module attributes {stable_mosaic.version = 14 : i64} {
  func.func @_sc1_body(%arg0: i32, %arg1: i32, %arg2: memref<320000xi32, #tpu.memory_space<hbm>>, %arg3: memref<320000xi32, #tpu.memory_space<hbm>>, %arg4: memref<10000x64xf32, #tpu.memory_space<hbm>>, %arg5: memref<10000x16xf32, #tpu.memory_space<hbm>>, %arg6: memref<10000x80xf32, #tpu.memory_space<hbm>>, %arg7: memref<16xf32, #tpu.memory_space<hbm>>, %arg8: memref<2x10000x80xf32, #tpu.memory_space<hbm>>, %arg9: memref<10000x64xf32, #tpu.memory_space<vmem_shared>>, %arg10: memref<10000x16xf32, #tpu.memory_space<vmem_shared>>, %arg11: memref<10000x80xf32, #tpu.memory_space<vmem_shared>>, %arg12: memref<80xi32, #tpu.memory_space<vmem>>, %arg13: memref<80xi32, #tpu.memory_space<vmem>>, %arg14: memref<80x16xf32, #tpu.memory_space<vmem>>, %arg15: memref<80x16xf32, #tpu.memory_space<vmem>>, %arg16: memref<80x64xf32, #tpu.memory_space<vmem>>, %arg17: memref<80x80xf32, #tpu.memory_space<vmem>>, %arg18: memref<16xf32, #tpu.memory_space<vmem>>) attributes {dimension_semantics = [#tpu.dimension_semantics<core_parallel>, #tpu.dimension_semantics<subcore_parallel>], iteration_bounds = array<i64: 2, 16>, scalar_prefetch = 0 : i64, scratch_operands = 10 : i64, tpu.core_type = #tpu.core_type<sc_vector_subcore>, window_params = [{transform_indices = #map}, {transform_indices = #map}, {transform_indices = #map1}, {transform_indices = #map1}, {transform_indices = #map1}, {transform_indices = #map}, {transform_indices = #map2}]} {
    %mul3A = arith.constant 16 : i32
    %mul3A_0 = arith.muli %arg0, %mul3A : i32
    %add3A = arith.addi %mul3A_0, %arg1 : i32
    %mul3A_1 = arith.constant 624 : i32
    %mul3A_2 = arith.muli %arg1, %mul3A_1 : i32
    "tpu.region"() ({
      %run_scoped3A = tpu.sem_alloc : memref<!tpu.dma_semaphore, #tpu.memory_space<semaphore_mem>>
      %dma_start3A = arith.constant 0 : i32
      %dma_start3A_23 = tpu.memref_slice %arg9[%mul3A_2, %dma_start3A] : memref<10000x64xf32, #tpu.memory_space<vmem_shared>> -> memref<624x64xf32, #tpu.memory_space<vmem_shared>>
      %dma_start3A_24 = arith.constant 0 : i32
      %dma_start3A_25 = tpu.memref_slice %arg4[%mul3A_2, %dma_start3A_24] : memref<10000x64xf32, #tpu.memory_space<hbm>> -> memref<624x64xf32, #tpu.memory_space<hbm>>
      tpu.enqueue_dma source(%dma_start3A_25 : memref<624x64xf32, #tpu.memory_space<hbm>>) target(%dma_start3A_23 : memref<624x64xf32, #tpu.memory_space<vmem_shared>>) target_semaphore(%run_scoped3A : memref<!tpu.dma_semaphore, #tpu.memory_space<semaphore_mem>>)
      %dma_wait3A = arith.constant 0 : i32
      %dma_wait3A_26 = tpu.memref_slice %arg9[%mul3A_2, %dma_wait3A] : memref<10000x64xf32, #tpu.memory_space<vmem_shared>> -> memref<624x64xf32, #tpu.memory_space<vmem_shared>>
      %dma_wait3A_27 = arith.constant 0 : i32
      %dma_wait3A_28 = tpu.memref_slice %arg4[%mul3A_2, %dma_wait3A_27] : memref<10000x64xf32, #tpu.memory_space<hbm>> -> memref<624x64xf32, #tpu.memory_space<hbm>>
      tpu.wait_dma2 semaphore(%run_scoped3A : memref<!tpu.dma_semaphore, #tpu.memory_space<semaphore_mem>>) src(%dma_wait3A_28 : memref<624x64xf32, #tpu.memory_space<hbm>>) dst(%dma_wait3A_26 : memref<624x64xf32, #tpu.memory_space<vmem_shared>>)
      tpu.yield
    }) : () -> ()
    "tpu.region"() ({
      %run_scoped3A = tpu.sem_alloc : memref<!tpu.dma_semaphore, #tpu.memory_space<semaphore_mem>>
      %dma_start3A = arith.constant 0 : i32
      %dma_start3A_23 = tpu.memref_slice %arg10[%mul3A_2, %dma_start3A] : memref<10000x16xf32, #tpu.memory_space<vmem_shared>> -> memref<624x16xf32, #tpu.memory_space<vmem_shared>>
      %dma_start3A_24 = arith.constant 0 : i32
      %dma_start3A_25 = tpu.memref_slice %arg5[%mul3A_2, %dma_start3A_24] : memref<10000x16xf32, #tpu.memory_space<hbm>> -> memref<624x16xf32, #tpu.memory_space<hbm>>
      tpu.enqueue_dma source(%dma_start3A_25 : memref<624x16xf32, #tpu.memory_space<hbm>>) target(%dma_start3A_23 : memref<624x16xf32, #tpu.memory_space<vmem_shared>>) target_semaphore(%run_scoped3A : memref<!tpu.dma_semaphore, #tpu.memory_space<semaphore_mem>>)
      %dma_wait3A = arith.constant 0 : i32
      %dma_wait3A_26 = tpu.memref_slice %arg10[%mul3A_2, %dma_wait3A] : memref<10000x16xf32, #tpu.memory_space<vmem_shared>> -> memref<624x16xf32, #tpu.memory_space<vmem_shared>>
      %dma_wait3A_27 = arith.constant 0 : i32
      %dma_wait3A_28 = tpu.memref_slice %arg5[%mul3A_2, %dma_wait3A_27] : memref<10000x16xf32, #tpu.memory_space<hbm>> -> memref<624x16xf32, #tpu.memory_space<hbm>>
      tpu.wait_dma2 semaphore(%run_scoped3A : memref<!tpu.dma_semaphore, #tpu.memory_space<semaphore_mem>>) src(%dma_wait3A_28 : memref<624x16xf32, #tpu.memory_space<hbm>>) dst(%dma_wait3A_26 : memref<624x16xf32, #tpu.memory_space<vmem_shared>>)
      tpu.yield
    }) : () -> ()
    "tpu.region"() ({
      %run_scoped3A = tpu.sem_alloc : memref<!tpu.dma_semaphore, #tpu.memory_space<semaphore_mem>>
      %dma_start3A = arith.constant 0 : i32
      %dma_start3A_23 = tpu.memref_slice %arg11[%mul3A_2, %dma_start3A] : memref<10000x80xf32, #tpu.memory_space<vmem_shared>> -> memref<624x80xf32, #tpu.memory_space<vmem_shared>>
      %dma_start3A_24 = arith.constant 0 : i32
      %dma_start3A_25 = tpu.memref_slice %arg6[%mul3A_2, %dma_start3A_24] : memref<10000x80xf32, #tpu.memory_space<hbm>> -> memref<624x80xf32, #tpu.memory_space<hbm>>
      tpu.enqueue_dma source(%dma_start3A_25 : memref<624x80xf32, #tpu.memory_space<hbm>>) target(%dma_start3A_23 : memref<624x80xf32, #tpu.memory_space<vmem_shared>>) target_semaphore(%run_scoped3A : memref<!tpu.dma_semaphore, #tpu.memory_space<semaphore_mem>>)
      %dma_wait3A = arith.constant 0 : i32
      %dma_wait3A_26 = tpu.memref_slice %arg11[%mul3A_2, %dma_wait3A] : memref<10000x80xf32, #tpu.memory_space<vmem_shared>> -> memref<624x80xf32, #tpu.memory_space<vmem_shared>>
      %dma_wait3A_27 = arith.constant 0 : i32
      %dma_wait3A_28 = tpu.memref_slice %arg6[%mul3A_2, %dma_wait3A_27] : memref<10000x80xf32, #tpu.memory_space<hbm>> -> memref<624x80xf32, #tpu.memory_space<hbm>>
      tpu.wait_dma2 semaphore(%run_scoped3A : memref<!tpu.dma_semaphore, #tpu.memory_space<semaphore_mem>>) src(%dma_wait3A_28 : memref<624x80xf32, #tpu.memory_space<hbm>>) dst(%dma_wait3A_26 : memref<624x80xf32, #tpu.memory_space<vmem_shared>>)
      tpu.yield
    }) : () -> ()
    "tpu.region"() ({
      %run_scoped3A = tpu.sem_alloc : memref<!tpu.dma_semaphore, #tpu.memory_space<semaphore_mem>>
      tpu.enqueue_dma source(%arg7 : memref<16xf32, #tpu.memory_space<hbm>>) target(%arg18 : memref<16xf32, #tpu.memory_space<vmem>>) target_semaphore(%run_scoped3A : memref<!tpu.dma_semaphore, #tpu.memory_space<semaphore_mem>>)
      tpu.wait_dma2 semaphore(%run_scoped3A : memref<!tpu.dma_semaphore, #tpu.memory_space<semaphore_mem>>) src(%arg7 : memref<16xf32, #tpu.memory_space<hbm>>) dst(%arg18 : memref<16xf32, #tpu.memory_space<vmem>>)
      tpu.yield
    }) : () -> ()
    %eq3A = arith.constant 15 : i32
    %eq3A_3 = arith.cmpi eq, %arg1, %eq3A : i32
    %convert_element_type3A = arith.extui %eq3A_3 : i1 to i32
    %cond3A = arith.constant 0 : i32
    %cond3A_4 = arith.cmpi ne, %convert_element_type3A, %cond3A : i32
    scf.if %cond3A_4 {
      "tpu.region"() ({
        %run_scoped3A = tpu.sem_alloc : memref<!tpu.dma_semaphore, #tpu.memory_space<semaphore_mem>>
        %dma_start3A = arith.constant 9984 : i32
        %dma_start3A_23 = arith.constant 0 : i32
        %dma_start3A_24 = tpu.memref_slice %arg9[%dma_start3A, %dma_start3A_23] : memref<10000x64xf32, #tpu.memory_space<vmem_shared>> -> memref<16x64xf32, #tpu.memory_space<vmem_shared>>
        %dma_start3A_25 = arith.constant 9984 : i32
        %dma_start3A_26 = arith.constant 0 : i32
        %dma_start3A_27 = tpu.memref_slice %arg4[%dma_start3A_25, %dma_start3A_26] : memref<10000x64xf32, #tpu.memory_space<hbm>> -> memref<16x64xf32, #tpu.memory_space<hbm>>
        tpu.enqueue_dma source(%dma_start3A_27 : memref<16x64xf32, #tpu.memory_space<hbm>>) target(%dma_start3A_24 : memref<16x64xf32, #tpu.memory_space<vmem_shared>>) target_semaphore(%run_scoped3A : memref<!tpu.dma_semaphore, #tpu.memory_space<semaphore_mem>>)
        %dma_wait3A = arith.constant 9984 : i32
        %dma_wait3A_28 = arith.constant 0 : i32
        %dma_wait3A_29 = tpu.memref_slice %arg9[%dma_wait3A, %dma_wait3A_28] : memref<10000x64xf32, #tpu.memory_space<vmem_shared>> -> memref<16x64xf32, #tpu.memory_space<vmem_shared>>
        %dma_wait3A_30 = arith.constant 9984 : i32
        %dma_wait3A_31 = arith.constant 0 : i32
        %dma_wait3A_32 = tpu.memref_slice %arg4[%dma_wait3A_30, %dma_wait3A_31] : memref<10000x64xf32, #tpu.memory_space<hbm>> -> memref<16x64xf32, #tpu.memory_space<hbm>>
        tpu.wait_dma2 semaphore(%run_scoped3A : memref<!tpu.dma_semaphore, #tpu.memory_space<semaphore_mem>>) src(%dma_wait3A_32 : memref<16x64xf32, #tpu.memory_space<hbm>>) dst(%dma_wait3A_29 : memref<16x64xf32, #tpu.memory_space<vmem_shared>>)
        tpu.yield
      }) : () -> ()
      "tpu.region"() ({
        %run_scoped3A = tpu.sem_alloc : memref<!tpu.dma_semaphore, #tpu.memory_space<semaphore_mem>>
        %dma_start3A = arith.constant 9984 : i32
        %dma_start3A_23 = arith.constant 0 : i32
        %dma_start3A_24 = tpu.memref_slice %arg10[%dma_start3A, %dma_start3A_23] : memref<10000x16xf32, #tpu.memory_space<vmem_shared>> -> memref<16x16xf32, #tpu.memory_space<vmem_shared>>
        %dma_start3A_25 = arith.constant 9984 : i32
        %dma_start3A_26 = arith.constant 0 : i32
        %dma_start3A_27 = tpu.memref_slice %arg5[%dma_start3A_25, %dma_start3A_26] : memref<10000x16xf32, #tpu.memory_space<hbm>> -> memref<16x16xf32, #tpu.memory_space<hbm>>
        tpu.enqueue_dma source(%dma_start3A_27 : memref<16x16xf32, #tpu.memory_space<hbm>>) target(%dma_start3A_24 : memref<16x16xf32, #tpu.memory_space<vmem_shared>>) target_semaphore(%run_scoped3A : memref<!tpu.dma_semaphore, #tpu.memory_space<semaphore_mem>>)
        %dma_wait3A = arith.constant 9984 : i32
        %dma_wait3A_28 = arith.constant 0 : i32
        %dma_wait3A_29 = tpu.memref_slice %arg10[%dma_wait3A, %dma_wait3A_28] : memref<10000x16xf32, #tpu.memory_space<vmem_shared>> -> memref<16x16xf32, #tpu.memory_space<vmem_shared>>
        %dma_wait3A_30 = arith.constant 9984 : i32
        %dma_wait3A_31 = arith.constant 0 : i32
        %dma_wait3A_32 = tpu.memref_slice %arg5[%dma_wait3A_30, %dma_wait3A_31] : memref<10000x16xf32, #tpu.memory_space<hbm>> -> memref<16x16xf32, #tpu.memory_space<hbm>>
        tpu.wait_dma2 semaphore(%run_scoped3A : memref<!tpu.dma_semaphore, #tpu.memory_space<semaphore_mem>>) src(%dma_wait3A_32 : memref<16x16xf32, #tpu.memory_space<hbm>>) dst(%dma_wait3A_29 : memref<16x16xf32, #tpu.memory_space<vmem_shared>>)
        tpu.yield
      }) : () -> ()
      "tpu.region"() ({
        %run_scoped3A = tpu.sem_alloc : memref<!tpu.dma_semaphore, #tpu.memory_space<semaphore_mem>>
        %dma_start3A = arith.constant 9984 : i32
        %dma_start3A_23 = arith.constant 0 : i32
        %dma_start3A_24 = tpu.memref_slice %arg11[%dma_start3A, %dma_start3A_23] : memref<10000x80xf32, #tpu.memory_space<vmem_shared>> -> memref<16x80xf32, #tpu.memory_space<vmem_shared>>
        %dma_start3A_25 = arith.constant 9984 : i32
        %dma_start3A_26 = arith.constant 0 : i32
        %dma_start3A_27 = tpu.memref_slice %arg6[%dma_start3A_25, %dma_start3A_26] : memref<10000x80xf32, #tpu.memory_space<hbm>> -> memref<16x80xf32, #tpu.memory_space<hbm>>
        tpu.enqueue_dma source(%dma_start3A_27 : memref<16x80xf32, #tpu.memory_space<hbm>>) target(%dma_start3A_24 : memref<16x80xf32, #tpu.memory_space<vmem_shared>>) target_semaphore(%run_scoped3A : memref<!tpu.dma_semaphore, #tpu.memory_space<semaphore_mem>>)
        %dma_wait3A = arith.constant 9984 : i32
        %dma_wait3A_28 = arith.constant 0 : i32
        %dma_wait3A_29 = tpu.memref_slice %arg11[%dma_wait3A, %dma_wait3A_28] : memref<10000x80xf32, #tpu.memory_space<vmem_shared>> -> memref<16x80xf32, #tpu.memory_space<vmem_shared>>
        %dma_wait3A_30 = arith.constant 9984 : i32
        %dma_wait3A_31 = arith.constant 0 : i32
        %dma_wait3A_32 = tpu.memref_slice %arg6[%dma_wait3A_30, %dma_wait3A_31] : memref<10000x80xf32, #tpu.memory_space<hbm>> -> memref<16x80xf32, #tpu.memory_space<hbm>>
        tpu.wait_dma2 semaphore(%run_scoped3A : memref<!tpu.dma_semaphore, #tpu.memory_space<semaphore_mem>>) src(%dma_wait3A_32 : memref<16x80xf32, #tpu.memory_space<hbm>>) dst(%dma_wait3A_29 : memref<16x80xf32, #tpu.memory_space<vmem_shared>>)
        tpu.yield
      }) : () -> ()
    } else {
    }
    %barrier3A = arith.constant 0 : index
    tpu.barrier barrier_id(%barrier3A)
    %get3A = arith.constant 0 : index
    %get3A_5 = tpu.vector_load %arg18[%get3A] {strides = array<i32>} : memref<16xf32, #tpu.memory_space<vmem>>, vector<16xf32>,
    %iota3A = tpu.iota {dimensions = array<i32: 0>} : vector<16xi32>
    %add3A_6 = arith.constant 8 : i32
    %add3A_7 = vector.broadcast %add3A_6 : i32 to vector<16xi32>
    %add3A_8 = arith.addi %iota3A, %add3A_7 : vector<16xi32>
    %and3A = arith.constant 15 : i32
    %and3A_9 = vector.broadcast %and3A : i32 to vector<16xi32>
    %and3A_10 = arith.andi %add3A_8, %and3A_9 : vector<16xi32>
    %mul3A_11 = arith.constant 10000 : i32
    %mul3A_12 = arith.muli %add3A, %mul3A_11 : i32
    %scan3A = arith.constant 0 : i32
    %scan3A_13 = arith.constant 125 : i32
    %scan3A_14 = arith.addi %scan3A, %scan3A_13 : i32
    %scan3A_15 = arith.constant 1 : i32
    scf.for %scan3A_23 = %scan3A to %scan3A_14 step %scan3A_15  : i32 {
      %mul3A_24 = arith.constant 1 : i32
      %mul3A_25 = arith.muli %scan3A_23, %mul3A_24 : i32
      %add3A_26 = arith.constant 0 : i32
      %add3A_27 = arith.addi %add3A_26, %mul3A_25 : i32
      %mul3A_28 = arith.constant 80 : i32
      %mul3A_29 = arith.muli %add3A_27, %mul3A_28 : i32
      %add3A_30 = arith.addi %mul3A_12, %mul3A_29 : i32
      "tpu.region"() ({
        %run_scoped3A = tpu.sem_alloc : memref<!tpu.dma_semaphore, #tpu.memory_space<semaphore_mem>>
        %dma_start3A = tpu.memref_slice %arg2[%add3A_30] : memref<320000xi32, #tpu.memory_space<hbm>> -> memref<80xi32, #tpu.memory_space<hbm>>
        %dma_start3A_36 = tpu.memref_slice %arg2[%add3A_30] : memref<320000xi32, #tpu.memory_space<hbm>> -> memref<80xi32, #tpu.memory_space<hbm>>
        tpu.enqueue_dma source(%dma_start3A_36 : memref<80xi32, #tpu.memory_space<hbm>>) target(%arg12 : memref<80xi32, #tpu.memory_space<vmem>>) target_semaphore(%run_scoped3A : memref<!tpu.dma_semaphore, #tpu.memory_space<semaphore_mem>>)
        %dma_wait3A = tpu.memref_slice %arg2[%add3A_30] : memref<320000xi32, #tpu.memory_space<hbm>> -> memref<80xi32, #tpu.memory_space<hbm>>
        %dma_wait3A_37 = tpu.memref_slice %arg2[%add3A_30] : memref<320000xi32, #tpu.memory_space<hbm>> -> memref<80xi32, #tpu.memory_space<hbm>>
        tpu.wait_dma2 semaphore(%run_scoped3A : memref<!tpu.dma_semaphore, #tpu.memory_space<semaphore_mem>>) src(%dma_wait3A_37 : memref<80xi32, #tpu.memory_space<hbm>>) dst(%arg12 : memref<80xi32, #tpu.memory_space<vmem>>)
        tpu.yield
      }) : () -> ()
      "tpu.region"() ({
        %run_scoped3A = tpu.sem_alloc : memref<!tpu.dma_semaphore, #tpu.memory_space<semaphore_mem>>
        %dma_start3A = tpu.memref_slice %arg3[%add3A_30] : memref<320000xi32, #tpu.memory_space<hbm>> -> memref<80xi32, #tpu.memory_space<hbm>>
        %dma_start3A_36 = tpu.memref_slice %arg3[%add3A_30] : memref<320000xi32, #tpu.memory_space<hbm>> -> memref<80xi32, #tpu.memory_space<hbm>>
        tpu.enqueue_dma source(%dma_start3A_36 : memref<80xi32, #tpu.memory_space<hbm>>) target(%arg13 : memref<80xi32, #tpu.memory_space<vmem>>) target_semaphore(%run_scoped3A : memref<!tpu.dma_semaphore, #tpu.memory_space<semaphore_mem>>)
        %dma_wait3A = tpu.memref_slice %arg3[%add3A_30] : memref<320000xi32, #tpu.memory_space<hbm>> -> memref<80xi32, #tpu.memory_space<hbm>>
        %dma_wait3A_37 = tpu.memref_slice %arg3[%add3A_30] : memref<320000xi32, #tpu.memory_space<hbm>> -> memref<80xi32, #tpu.memory_space<hbm>>
        tpu.wait_dma2 semaphore(%run_scoped3A : memref<!tpu.dma_semaphore, #tpu.memory_space<semaphore_mem>>) src(%dma_wait3A_37 : memref<80xi32, #tpu.memory_space<hbm>>) dst(%arg13 : memref<80xi32, #tpu.memory_space<vmem>>)
        tpu.yield
      }) : () -> ()
      "tpu.region"() ({
        %run_scoped3A = tpu.sem_alloc : memref<!tpu.dma_semaphore, #tpu.memory_space<semaphore_mem>>
        %dma_start3A = arith.constant 0 : i32
        %dma_start3A_36 = arith.constant 0 : i32
        %dma_start3A_37 = tpu.memref_slice %arg10[%dma_start3A, %dma_start3A_36] : memref<10000x16xf32, #tpu.memory_space<vmem_shared>> -> memref<10000x16xf32, #tpu.memory_space<vmem_shared>>
        tpu.enqueue_indirect_dma source(%dma_start3A_37 : memref<10000x16xf32, #tpu.memory_space<vmem_shared>>) target(%arg14 : memref<80x16xf32, #tpu.memory_space<vmem>>) offsets(%arg12 : memref<80xi32, #tpu.memory_space<vmem>>) semaphore(%run_scoped3A : memref<!tpu.dma_semaphore, #tpu.memory_space<semaphore_mem>>)
        %dma_wait3A = arith.constant 0 : i32
        %dma_wait3A_38 = arith.constant 0 : i32
        %dma_wait3A_39 = tpu.memref_slice %arg10[%dma_wait3A, %dma_wait3A_38] : memref<10000x16xf32, #tpu.memory_space<vmem_shared>> -> memref<10000x16xf32, #tpu.memory_space<vmem_shared>>
        tpu.wait_indirect_dma semaphore(%run_scoped3A : memref<!tpu.dma_semaphore, #tpu.memory_space<semaphore_mem>>) src(%dma_wait3A_39 : memref<10000x16xf32, #tpu.memory_space<vmem_shared>>) dst(%arg14 : memref<80x16xf32, #tpu.memory_space<vmem>>)
        tpu.yield
      }) : () -> ()
      "tpu.region"() ({
        %run_scoped3A = tpu.sem_alloc : memref<!tpu.dma_semaphore, #tpu.memory_space<semaphore_mem>>
        %dma_start3A = arith.constant 0 : i32
        %dma_start3A_36 = arith.constant 0 : i32
        %dma_start3A_37 = tpu.memref_slice %arg10[%dma_start3A, %dma_start3A_36] : memref<10000x16xf32, #tpu.memory_space<vmem_shared>> -> memref<10000x16xf32, #tpu.memory_space<vmem_shared>>
        tpu.enqueue_indirect_dma source(%dma_start3A_37 : memref<10000x16xf32, #tpu.memory_space<vmem_shared>>) target(%arg15 : memref<80x16xf32, #tpu.memory_space<vmem>>) offsets(%arg13 : memref<80xi32, #tpu.memory_space<vmem>>) semaphore(%run_scoped3A : memref<!tpu.dma_semaphore, #tpu.memory_space<semaphore_mem>>)
        %dma_wait3A = arith.constant 0 : i32
        %dma_wait3A_38 = arith.constant 0 : i32
        %dma_wait3A_39 = tpu.memref_slice %arg10[%dma_wait3A, %dma_wait3A_38] : memref<10000x16xf32, #tpu.memory_space<vmem_shared>> -> memref<10000x16xf32, #tpu.memory_space<vmem_shared>>
        tpu.wait_indirect_dma semaphore(%run_scoped3A : memref<!tpu.dma_semaphore, #tpu.memory_space<semaphore_mem>>) src(%dma_wait3A_39 : memref<10000x16xf32, #tpu.memory_space<vmem_shared>>) dst(%arg15 : memref<80x16xf32, #tpu.memory_space<vmem>>)
        tpu.yield
      }) : () -> ()
      "tpu.region"() ({
        %run_scoped3A = tpu.sem_alloc : memref<!tpu.dma_semaphore, #tpu.memory_space<semaphore_mem>>
        %dma_start3A = arith.constant 0 : i32
        %dma_start3A_36 = arith.constant 0 : i32
        %dma_start3A_37 = tpu.memref_slice %arg9[%dma_start3A, %dma_start3A_36] : memref<10000x64xf32, #tpu.memory_space<vmem_shared>> -> memref<10000x64xf32, #tpu.memory_space<vmem_shared>>
        tpu.enqueue_indirect_dma source(%dma_start3A_37 : memref<10000x64xf32, #tpu.memory_space<vmem_shared>>) target(%arg16 : memref<80x64xf32, #tpu.memory_space<vmem>>) offsets(%arg12 : memref<80xi32, #tpu.memory_space<vmem>>) semaphore(%run_scoped3A : memref<!tpu.dma_semaphore, #tpu.memory_space<semaphore_mem>>)
        %dma_wait3A = arith.constant 0 : i32
        %dma_wait3A_38 = arith.constant 0 : i32
        %dma_wait3A_39 = tpu.memref_slice %arg9[%dma_wait3A, %dma_wait3A_38] : memref<10000x64xf32, #tpu.memory_space<vmem_shared>> -> memref<10000x64xf32, #tpu.memory_space<vmem_shared>>
        tpu.wait_indirect_dma semaphore(%run_scoped3A : memref<!tpu.dma_semaphore, #tpu.memory_space<semaphore_mem>>) src(%dma_wait3A_39 : memref<10000x64xf32, #tpu.memory_space<vmem_shared>>) dst(%arg16 : memref<80x64xf32, #tpu.memory_space<vmem>>)
        tpu.yield
      }) : () -> ()
      %scan3A_31 = arith.constant 0 : i32
      %scan3A_32 = arith.constant 80 : i32
      %scan3A_33 = arith.addi %scan3A_31, %scan3A_32 : i32
      %scan3A_34 = arith.constant 1 : i32
      scf.for %scan3A_36 = %scan3A_31 to %scan3A_33 step %scan3A_34  : i32 {
        %mul3A_37 = arith.constant 1 : i32
        %mul3A_38 = arith.muli %scan3A_36, %mul3A_37 : i32
        %add3A_39 = arith.constant 0 : i32
        %add3A_40 = arith.addi %add3A_39, %mul3A_38 : i32
        %broadcast_in_dim3A = vector.broadcast %add3A_40 : i32 to vector<16xi32>
        %get3A_41 = arith.index_cast %add3A_40 : i32 to index
        %get3A_42 = arith.constant 0 : index
        %get3A_43 = tpu.vector_load %arg14[%get3A_41, %get3A_42] {strides = array<i32>} : memref<80x16xf32, #tpu.memory_space<vmem>>, vector<16xf32>,
        %gather3A = tpu.vector_load_idx %arg15[%broadcast_in_dim3A, %and3A_10] : memref<80x16xf32, #tpu.memory_space<vmem>>[vector<16xi32>, vector<16xi32>], vector<16xf32>,
        %add3A_44 = arith.addf %get3A_43, %gather3A : vector<16xf32>
        %mul3A_45 = arith.constant 2.000000e-01 : f32
        %mul3A_46 = vector.broadcast %mul3A_45 : f32 to vector<16xf32>
        %mul3A_47 = arith.mulf %mul3A_46, %add3A_44 : vector<16xf32>
        %max3A = arith.maximumf %add3A_44, %mul3A_47 : vector<16xf32>
        %sub3A = arith.subf %max3A, %get3A_5 : vector<16xf32>
        %exp3A = math.exp %sub3A : vector<16xf32>
        %swap3A = arith.index_cast %add3A_40 : i32 to index
        %swap3A_48 = arith.constant 64 : index
        %swap3A_49 = tpu.vector_load %arg17[%swap3A, %swap3A_48] {strides = array<i32>} : memref<80x80xf32, #tpu.memory_space<vmem>>, vector<16xf32>,
        tpu.vector_store %arg17[%swap3A, %swap3A_48], %exp3A {strides = array<i32>} : memref<80x80xf32, #tpu.memory_space<vmem>>, vector<16xf32>,
        %shift_right_arithmetic3A = arith.constant 3 : i32
        %shift_right_arithmetic3A_50 = vector.broadcast %shift_right_arithmetic3A : i32 to vector<16xi32>
        %shift_right_arithmetic3A_51 = arith.shrsi %iota3A, %shift_right_arithmetic3A_50 : vector<16xi32>
        %add3A_52 = arith.constant 64 : i32
        %add3A_53 = vector.broadcast %add3A_52 : i32 to vector<16xi32>
        %add3A_54 = arith.addi %add3A_53, %shift_right_arithmetic3A_51 : vector<16xi32>
        %add3A_55 = arith.constant 0 : i32
        %add3A_56 = vector.broadcast %add3A_55 : i32 to vector<16xi32>
        %add3A_57 = arith.addi %add3A_54, %add3A_56 : vector<16xi32>
        %gather3A_58 = tpu.vector_load_idx %arg17[%broadcast_in_dim3A, %add3A_57] : memref<80x80xf32, #tpu.memory_space<vmem>>[vector<16xi32>, vector<16xi32>], vector<16xf32>,
        %get3A_59 = arith.index_cast %add3A_40 : i32 to index
        %get3A_60 = arith.constant 0 : index
        %get3A_61 = tpu.vector_load %arg16[%get3A_59, %get3A_60] {strides = array<i32>} : memref<80x64xf32, #tpu.memory_space<vmem>>, vector<16xf32>,
        %mul3A_62 = arith.mulf %gather3A_58, %get3A_61 : vector<16xf32>
        %swap3A_63 = arith.index_cast %add3A_40 : i32 to index
        %swap3A_64 = arith.constant 0 : index
        %swap3A_65 = tpu.vector_load %arg17[%swap3A_63, %swap3A_64] {strides = array<i32>} : memref<80x80xf32, #tpu.memory_space<vmem>>, vector<16xf32>,
        tpu.vector_store %arg17[%swap3A_63, %swap3A_64], %mul3A_62 {strides = array<i32>} : memref<80x80xf32, #tpu.memory_space<vmem>>, vector<16xf32>,
        %shift_right_arithmetic3A_66 = arith.constant 3 : i32
        %shift_right_arithmetic3A_67 = vector.broadcast %shift_right_arithmetic3A_66 : i32 to vector<16xi32>
        %shift_right_arithmetic3A_68 = arith.shrsi %iota3A, %shift_right_arithmetic3A_67 : vector<16xi32>
        %add3A_69 = arith.constant 64 : i32
        %add3A_70 = vector.broadcast %add3A_69 : i32 to vector<16xi32>
        %add3A_71 = arith.addi %add3A_70, %shift_right_arithmetic3A_68 : vector<16xi32>
        %add3A_72 = arith.constant 2 : i32
        %add3A_73 = vector.broadcast %add3A_72 : i32 to vector<16xi32>
        %add3A_74 = arith.addi %add3A_71, %add3A_73 : vector<16xi32>
        %gather3A_75 = tpu.vector_load_idx %arg17[%broadcast_in_dim3A, %add3A_74] : memref<80x80xf32, #tpu.memory_space<vmem>>[vector<16xi32>, vector<16xi32>], vector<16xf32>,
        %get3A_76 = arith.index_cast %add3A_40 : i32 to index
        %get3A_77 = arith.constant 16 : index
        %get3A_78 = tpu.vector_load %arg16[%get3A_76, %get3A_77] {strides = array<i32>} : memref<80x64xf32, #tpu.memory_space<vmem>>, vector<16xf32>,
        %mul3A_79 = arith.mulf %gather3A_75, %get3A_78 : vector<16xf32>
        %swap3A_80 = arith.index_cast %add3A_40 : i32 to index
        %swap3A_81 = arith.constant 16 : index
        %swap3A_82 = tpu.vector_load %arg17[%swap3A_80, %swap3A_81] {strides = array<i32>} : memref<80x80xf32, #tpu.memory_space<vmem>>, vector<16xf32>,
        tpu.vector_store %arg17[%swap3A_80, %swap3A_81], %mul3A_79 {strides = array<i32>} : memref<80x80xf32, #tpu.memory_space<vmem>>, vector<16xf32>,
        %shift_right_arithmetic3A_83 = arith.constant 3 : i32
        %shift_right_arithmetic3A_84 = vector.broadcast %shift_right_arithmetic3A_83 : i32 to vector<16xi32>
        %shift_right_arithmetic3A_85 = arith.shrsi %iota3A, %shift_right_arithmetic3A_84 : vector<16xi32>
        %add3A_86 = arith.constant 64 : i32
        %add3A_87 = vector.broadcast %add3A_86 : i32 to vector<16xi32>
        %add3A_88 = arith.addi %add3A_87, %shift_right_arithmetic3A_85 : vector<16xi32>
        %add3A_89 = arith.constant 4 : i32
        %add3A_90 = vector.broadcast %add3A_89 : i32 to vector<16xi32>
        %add3A_91 = arith.addi %add3A_88, %add3A_90 : vector<16xi32>
        %gather3A_92 = tpu.vector_load_idx %arg17[%broadcast_in_dim3A, %add3A_91] : memref<80x80xf32, #tpu.memory_space<vmem>>[vector<16xi32>, vector<16xi32>], vector<16xf32>,
        %get3A_93 = arith.index_cast %add3A_40 : i32 to index
        %get3A_94 = arith.constant 32 : index
        %get3A_95 = tpu.vector_load %arg16[%get3A_93, %get3A_94] {strides = array<i32>} : memref<80x64xf32, #tpu.memory_space<vmem>>, vector<16xf32>,
        %mul3A_96 = arith.mulf %gather3A_92, %get3A_95 : vector<16xf32>
        %swap3A_97 = arith.index_cast %add3A_40 : i32 to index
        %swap3A_98 = arith.constant 32 : index
        %swap3A_99 = tpu.vector_load %arg17[%swap3A_97, %swap3A_98] {strides = array<i32>} : memref<80x80xf32, #tpu.memory_space<vmem>>, vector<16xf32>,
        tpu.vector_store %arg17[%swap3A_97, %swap3A_98], %mul3A_96 {strides = array<i32>} : memref<80x80xf32, #tpu.memory_space<vmem>>, vector<16xf32>,
        %shift_right_arithmetic3A_100 = arith.constant 3 : i32
        %shift_right_arithmetic3A_101 = vector.broadcast %shift_right_arithmetic3A_100 : i32 to vector<16xi32>
        %shift_right_arithmetic3A_102 = arith.shrsi %iota3A, %shift_right_arithmetic3A_101 : vector<16xi32>
        %add3A_103 = arith.constant 64 : i32
        %add3A_104 = vector.broadcast %add3A_103 : i32 to vector<16xi32>
        %add3A_105 = arith.addi %add3A_104, %shift_right_arithmetic3A_102 : vector<16xi32>
        %add3A_106 = arith.constant 6 : i32
        %add3A_107 = vector.broadcast %add3A_106 : i32 to vector<16xi32>
        %add3A_108 = arith.addi %add3A_105, %add3A_107 : vector<16xi32>
        %gather3A_109 = tpu.vector_load_idx %arg17[%broadcast_in_dim3A, %add3A_108] : memref<80x80xf32, #tpu.memory_space<vmem>>[vector<16xi32>, vector<16xi32>], vector<16xf32>,
        %get3A_110 = arith.index_cast %add3A_40 : i32 to index
        %get3A_111 = arith.constant 48 : index
        %get3A_112 = tpu.vector_load %arg16[%get3A_110, %get3A_111] {strides = array<i32>} : memref<80x64xf32, #tpu.memory_space<vmem>>, vector<16xf32>,
        %mul3A_113 = arith.mulf %gather3A_109, %get3A_112 : vector<16xf32>
        %swap3A_114 = arith.index_cast %add3A_40 : i32 to index
        %swap3A_115 = arith.constant 48 : index
        %swap3A_116 = tpu.vector_load %arg17[%swap3A_114, %swap3A_115] {strides = array<i32>} : memref<80x80xf32, #tpu.memory_space<vmem>>, vector<16xf32>,
        tpu.vector_store %arg17[%swap3A_114, %swap3A_115], %mul3A_113 {strides = array<i32>} : memref<80x80xf32, #tpu.memory_space<vmem>>, vector<16xf32>,
      }
      %scan3A_35 = arith.constant 80 : i32
      "tpu.region"() ({
        %run_scoped3A = tpu.sem_alloc : memref<!tpu.dma_semaphore, #tpu.memory_space<semaphore_mem>>
        %dma_start3A = arith.constant 0 : i32
        %dma_start3A_36 = arith.constant 0 : i32
        %dma_start3A_37 = tpu.memref_slice %arg11[%dma_start3A, %dma_start3A_36] : memref<10000x80xf32, #tpu.memory_space<vmem_shared>> -> memref<10000x80xf32, #tpu.memory_space<vmem_shared>>
        tpu.enqueue_indirect_dma source(%arg17 : memref<80x80xf32, #tpu.memory_space<vmem>>) target(%dma_start3A_37 : memref<10000x80xf32, #tpu.memory_space<vmem_shared>>) offsets(%arg13 : memref<80xi32, #tpu.memory_space<vmem>>) semaphore(%run_scoped3A : memref<!tpu.dma_semaphore, #tpu.memory_space<semaphore_mem>>) {add = true}
        %dma_wait3A = arith.constant 0 : i32
        %dma_wait3A_38 = arith.constant 0 : i32
        %dma_wait3A_39 = tpu.memref_slice %arg11[%dma_wait3A, %dma_wait3A_38] : memref<10000x80xf32, #tpu.memory_space<vmem_shared>> -> memref<10000x80xf32, #tpu.memory_space<vmem_shared>>
        tpu.wait_indirect_dma semaphore(%run_scoped3A : memref<!tpu.dma_semaphore, #tpu.memory_space<semaphore_mem>>) src(%arg17 : memref<80x80xf32, #tpu.memory_space<vmem>>) dst(%dma_wait3A_39 : memref<10000x80xf32, #tpu.memory_space<vmem_shared>>)
        tpu.yield
      }) : () -> ()
    }
    %scan3A_16 = arith.constant 125 : i32
    %barrier3A_17 = arith.constant 0 : index
    tpu.barrier barrier_id(%barrier3A_17)
    "tpu.region"() ({
      %run_scoped3A = tpu.sem_alloc : memref<!tpu.dma_semaphore, #tpu.memory_space<semaphore_mem>>
      %dma_start3A = arith.constant 0 : i32
      %dma_start3A_23 = tpu.memref_slice %arg8[%arg0, %mul3A_2, %dma_start3A] : memref<2x10000x80xf32, #tpu.memory_space<hbm>> -> memref<1x624x80xf32, #tpu.memory_space<hbm>>
      %dma_start3A_24 = tpu.memref_squeeze %dma_start3A_23 : memref<1x624x80xf32, #tpu.memory_space<hbm>> -> memref<624x80xf32, #tpu.memory_space<hbm>>
      %dma_start3A_25 = arith.constant 0 : i32
      %dma_start3A_26 = tpu.memref_slice %arg11[%mul3A_2, %dma_start3A_25] : memref<10000x80xf32, #tpu.memory_space<vmem_shared>> -> memref<624x80xf32, #tpu.memory_space<vmem_shared>>
      tpu.enqueue_dma source(%dma_start3A_26 : memref<624x80xf32, #tpu.memory_space<vmem_shared>>) target(%dma_start3A_24 : memref<624x80xf32, #tpu.memory_space<hbm>>) target_semaphore(%run_scoped3A : memref<!tpu.dma_semaphore, #tpu.memory_space<semaphore_mem>>)
      %dma_wait3A = arith.constant 0 : i32
      %dma_wait3A_27 = tpu.memref_slice %arg8[%arg0, %mul3A_2, %dma_wait3A] : memref<2x10000x80xf32, #tpu.memory_space<hbm>> -> memref<1x624x80xf32, #tpu.memory_space<hbm>>
      %dma_wait3A_28 = tpu.memref_squeeze %dma_wait3A_27 : memref<1x624x80xf32, #tpu.memory_space<hbm>> -> memref<624x80xf32, #tpu.memory_space<hbm>>
      %dma_wait3A_29 = arith.constant 0 : i32
      %dma_wait3A_30 = tpu.memref_slice %arg11[%mul3A_2, %dma_wait3A_29] : memref<10000x80xf32, #tpu.memory_space<vmem_shared>> -> memref<624x80xf32, #tpu.memory_space<vmem_shared>>
      tpu.wait_dma2 semaphore(%run_scoped3A : memref<!tpu.dma_semaphore, #tpu.memory_space<semaphore_mem>>) src(%dma_wait3A_30 : memref<624x80xf32, #tpu.memory_space<vmem_shared>>) dst(%dma_wait3A_28 : memref<624x80xf32, #tpu.memory_space<hbm>>)
      tpu.yield
    }) : () -> ()
    %eq3A_18 = arith.constant 15 : i32
    %eq3A_19 = arith.cmpi eq, %arg1, %eq3A_18 : i32
    %convert_element_type3A_20 = arith.extui %eq3A_19 : i1 to i32
    %cond3A_21 = arith.constant 0 : i32
    %cond3A_22 = arith.cmpi ne, %convert_element_type3A_20, %cond3A_21 : i32
    scf.if %cond3A_22 {
      "tpu.region"() ({
        %run_scoped3A = tpu.sem_alloc : memref<!tpu.dma_semaphore, #tpu.memory_space<semaphore_mem>>
        %dma_start3A = arith.constant 9984 : i32
        %dma_start3A_23 = arith.constant 0 : i32
        %dma_start3A_24 = tpu.memref_slice %arg8[%arg0, %dma_start3A, %dma_start3A_23] : memref<2x10000x80xf32, #tpu.memory_space<hbm>> -> memref<1x16x80xf32, #tpu.memory_space<hbm>>
        %dma_start3A_25 = tpu.memref_squeeze %dma_start3A_24 : memref<1x16x80xf32, #tpu.memory_space<hbm>> -> memref<16x80xf32, #tpu.memory_space<hbm>>
        %dma_start3A_26 = arith.constant 9984 : i32
        %dma_start3A_27 = arith.constant 0 : i32
        %dma_start3A_28 = tpu.memref_slice %arg11[%dma_start3A_26, %dma_start3A_27] : memref<10000x80xf32, #tpu.memory_space<vmem_shared>> -> memref<16x80xf32, #tpu.memory_space<vmem_shared>>
        tpu.enqueue_dma source(%dma_start3A_28 : memref<16x80xf32, #tpu.memory_space<vmem_shared>>) target(%dma_start3A_25 : memref<16x80xf32, #tpu.memory_space<hbm>>) target_semaphore(%run_scoped3A : memref<!tpu.dma_semaphore, #tpu.memory_space<semaphore_mem>>)
        %dma_wait3A = arith.constant 9984 : i32
        %dma_wait3A_29 = arith.constant 0 : i32
        %dma_wait3A_30 = tpu.memref_slice %arg8[%arg0, %dma_wait3A, %dma_wait3A_29] : memref<2x10000x80xf32, #tpu.memory_space<hbm>> -> memref<1x16x80xf32, #tpu.memory_space<hbm>>
        %dma_wait3A_31 = tpu.memref_squeeze %dma_wait3A_30 : memref<1x16x80xf32, #tpu.memory_space<hbm>> -> memref<16x80xf32, #tpu.memory_space<hbm>>
        %dma_wait3A_32 = arith.constant 9984 : i32
        %dma_wait3A_33 = arith.constant 0 : i32
        %dma_wait3A_34 = tpu.memref_slice %arg11[%dma_wait3A_32, %dma_wait3A_33] : memref<10000x80xf32, #tpu.memory_space<vmem_shared>> -> memref<16x80xf32, #tpu.memory_space<vmem_shared>>
        tpu.wait_dma2 semaphore(%run_scoped3A : memref<!tpu.dma_semaphore, #tpu.memory_space<semaphore_mem>>) src(%dma_wait3A_34 : memref<16x80xf32, #tpu.memory_space<vmem_shared>>) dst(%dma_wait3A_31 : memref<16x80xf32, #tpu.memory_space<hbm>>)
        tpu.yield
      }) : () -> ()
    } else {
    }
    return
  }
}

#map = affine_map<(d0, d1) -> (0)>
#map1 = affine_map<(d0, d1) -> (0, 0)>
#map2 = affine_map<(d0, d1) -> (0, 0, 0)>
module attributes {stable_mosaic.version = 14 : i64} {
  func.func @_sc2_body(%arg0: i32, %arg1: i32, %arg2: memref<320000xi32, #tpu.memory_space<hbm>>, %arg3: memref<320000xi32, #tpu.memory_space<hbm>>, %arg4: memref<10000x16xf32, #tpu.memory_space<hbm>>, %arg5: memref<10000x16xf32, #tpu.memory_space<hbm>>, %arg6: memref<16xf32, #tpu.memory_space<hbm>>, %arg7: memref<2x10000x16xf32, #tpu.memory_space<hbm>>, %arg8: memref<10000x16xf32, #tpu.memory_space<vmem_shared>>, %arg9: memref<10000x16xf32, #tpu.memory_space<vmem_shared>>, %arg10: memref<80xi32, #tpu.memory_space<vmem>>, %arg11: memref<80xi32, #tpu.memory_space<vmem>>, %arg12: memref<80x16xf32, #tpu.memory_space<vmem>>, %arg13: memref<80x16xf32, #tpu.memory_space<vmem>>, %arg14: memref<80x16xf32, #tpu.memory_space<vmem>>, %arg15: memref<16xf32, #tpu.memory_space<vmem>>) attributes {dimension_semantics = [#tpu.dimension_semantics<core_parallel>, #tpu.dimension_semantics<subcore_parallel>], iteration_bounds = array<i64: 2, 16>, scalar_prefetch = 0 : i64, scratch_operands = 8 : i64, tpu.core_type = #tpu.core_type<sc_vector_subcore>, window_params = [{transform_indices = #map}, {transform_indices = #map}, {transform_indices = #map1}, {transform_indices = #map1}, {transform_indices = #map}, {transform_indices = #map2}]} {
    %mul3A = arith.constant 16 : i32
    %mul3A_0 = arith.muli %arg0, %mul3A : i32
    %add3A = arith.addi %mul3A_0, %arg1 : i32
    %mul3A_1 = arith.constant 624 : i32
    %mul3A_2 = arith.muli %arg1, %mul3A_1 : i32
    "tpu.region"() ({
      %run_scoped3A = tpu.sem_alloc : memref<!tpu.dma_semaphore, #tpu.memory_space<semaphore_mem>>
      %dma_start3A = arith.constant 0 : i32
      %dma_start3A_21 = tpu.memref_slice %arg8[%mul3A_2, %dma_start3A] : memref<10000x16xf32, #tpu.memory_space<vmem_shared>> -> memref<624x16xf32, #tpu.memory_space<vmem_shared>>
      %dma_start3A_22 = arith.constant 0 : i32
      %dma_start3A_23 = tpu.memref_slice %arg4[%mul3A_2, %dma_start3A_22] : memref<10000x16xf32, #tpu.memory_space<hbm>> -> memref<624x16xf32, #tpu.memory_space<hbm>>
      tpu.enqueue_dma source(%dma_start3A_23 : memref<624x16xf32, #tpu.memory_space<hbm>>) target(%dma_start3A_21 : memref<624x16xf32, #tpu.memory_space<vmem_shared>>) target_semaphore(%run_scoped3A : memref<!tpu.dma_semaphore, #tpu.memory_space<semaphore_mem>>)
      %dma_wait3A = arith.constant 0 : i32
      %dma_wait3A_24 = tpu.memref_slice %arg8[%mul3A_2, %dma_wait3A] : memref<10000x16xf32, #tpu.memory_space<vmem_shared>> -> memref<624x16xf32, #tpu.memory_space<vmem_shared>>
      %dma_wait3A_25 = arith.constant 0 : i32
      %dma_wait3A_26 = tpu.memref_slice %arg4[%mul3A_2, %dma_wait3A_25] : memref<10000x16xf32, #tpu.memory_space<hbm>> -> memref<624x16xf32, #tpu.memory_space<hbm>>
      tpu.wait_dma2 semaphore(%run_scoped3A : memref<!tpu.dma_semaphore, #tpu.memory_space<semaphore_mem>>) src(%dma_wait3A_26 : memref<624x16xf32, #tpu.memory_space<hbm>>) dst(%dma_wait3A_24 : memref<624x16xf32, #tpu.memory_space<vmem_shared>>)
      tpu.yield
    }) : () -> ()
    "tpu.region"() ({
      %run_scoped3A = tpu.sem_alloc : memref<!tpu.dma_semaphore, #tpu.memory_space<semaphore_mem>>
      %dma_start3A = arith.constant 0 : i32
      %dma_start3A_21 = tpu.memref_slice %arg9[%mul3A_2, %dma_start3A] : memref<10000x16xf32, #tpu.memory_space<vmem_shared>> -> memref<624x16xf32, #tpu.memory_space<vmem_shared>>
      %dma_start3A_22 = arith.constant 0 : i32
      %dma_start3A_23 = tpu.memref_slice %arg5[%mul3A_2, %dma_start3A_22] : memref<10000x16xf32, #tpu.memory_space<hbm>> -> memref<624x16xf32, #tpu.memory_space<hbm>>
      tpu.enqueue_dma source(%dma_start3A_23 : memref<624x16xf32, #tpu.memory_space<hbm>>) target(%dma_start3A_21 : memref<624x16xf32, #tpu.memory_space<vmem_shared>>) target_semaphore(%run_scoped3A : memref<!tpu.dma_semaphore, #tpu.memory_space<semaphore_mem>>)
      %dma_wait3A = arith.constant 0 : i32
      %dma_wait3A_24 = tpu.memref_slice %arg9[%mul3A_2, %dma_wait3A] : memref<10000x16xf32, #tpu.memory_space<vmem_shared>> -> memref<624x16xf32, #tpu.memory_space<vmem_shared>>
      %dma_wait3A_25 = arith.constant 0 : i32
      %dma_wait3A_26 = tpu.memref_slice %arg5[%mul3A_2, %dma_wait3A_25] : memref<10000x16xf32, #tpu.memory_space<hbm>> -> memref<624x16xf32, #tpu.memory_space<hbm>>
      tpu.wait_dma2 semaphore(%run_scoped3A : memref<!tpu.dma_semaphore, #tpu.memory_space<semaphore_mem>>) src(%dma_wait3A_26 : memref<624x16xf32, #tpu.memory_space<hbm>>) dst(%dma_wait3A_24 : memref<624x16xf32, #tpu.memory_space<vmem_shared>>)
      tpu.yield
    }) : () -> ()
    "tpu.region"() ({
      %run_scoped3A = tpu.sem_alloc : memref<!tpu.dma_semaphore, #tpu.memory_space<semaphore_mem>>
      tpu.enqueue_dma source(%arg6 : memref<16xf32, #tpu.memory_space<hbm>>) target(%arg15 : memref<16xf32, #tpu.memory_space<vmem>>) target_semaphore(%run_scoped3A : memref<!tpu.dma_semaphore, #tpu.memory_space<semaphore_mem>>)
      tpu.wait_dma2 semaphore(%run_scoped3A : memref<!tpu.dma_semaphore, #tpu.memory_space<semaphore_mem>>) src(%arg6 : memref<16xf32, #tpu.memory_space<hbm>>) dst(%arg15 : memref<16xf32, #tpu.memory_space<vmem>>)
      tpu.yield
    }) : () -> ()
    %eq3A = arith.constant 15 : i32
    %eq3A_3 = arith.cmpi eq, %arg1, %eq3A : i32
    %convert_element_type3A = arith.extui %eq3A_3 : i1 to i32
    %cond3A = arith.constant 0 : i32
    %cond3A_4 = arith.cmpi ne, %convert_element_type3A, %cond3A : i32
    scf.if %cond3A_4 {
      "tpu.region"() ({
        %run_scoped3A = tpu.sem_alloc : memref<!tpu.dma_semaphore, #tpu.memory_space<semaphore_mem>>
        %dma_start3A = arith.constant 9984 : i32
        %dma_start3A_21 = arith.constant 0 : i32
        %dma_start3A_22 = tpu.memref_slice %arg8[%dma_start3A, %dma_start3A_21] : memref<10000x16xf32, #tpu.memory_space<vmem_shared>> -> memref<16x16xf32, #tpu.memory_space<vmem_shared>>
        %dma_start3A_23 = arith.constant 9984 : i32
        %dma_start3A_24 = arith.constant 0 : i32
        %dma_start3A_25 = tpu.memref_slice %arg4[%dma_start3A_23, %dma_start3A_24] : memref<10000x16xf32, #tpu.memory_space<hbm>> -> memref<16x16xf32, #tpu.memory_space<hbm>>
        tpu.enqueue_dma source(%dma_start3A_25 : memref<16x16xf32, #tpu.memory_space<hbm>>) target(%dma_start3A_22 : memref<16x16xf32, #tpu.memory_space<vmem_shared>>) target_semaphore(%run_scoped3A : memref<!tpu.dma_semaphore, #tpu.memory_space<semaphore_mem>>)
        %dma_wait3A = arith.constant 9984 : i32
        %dma_wait3A_26 = arith.constant 0 : i32
        %dma_wait3A_27 = tpu.memref_slice %arg8[%dma_wait3A, %dma_wait3A_26] : memref<10000x16xf32, #tpu.memory_space<vmem_shared>> -> memref<16x16xf32, #tpu.memory_space<vmem_shared>>
        %dma_wait3A_28 = arith.constant 9984 : i32
        %dma_wait3A_29 = arith.constant 0 : i32
        %dma_wait3A_30 = tpu.memref_slice %arg4[%dma_wait3A_28, %dma_wait3A_29] : memref<10000x16xf32, #tpu.memory_space<hbm>> -> memref<16x16xf32, #tpu.memory_space<hbm>>
        tpu.wait_dma2 semaphore(%run_scoped3A : memref<!tpu.dma_semaphore, #tpu.memory_space<semaphore_mem>>) src(%dma_wait3A_30 : memref<16x16xf32, #tpu.memory_space<hbm>>) dst(%dma_wait3A_27 : memref<16x16xf32, #tpu.memory_space<vmem_shared>>)
        tpu.yield
      }) : () -> ()
      "tpu.region"() ({
        %run_scoped3A = tpu.sem_alloc : memref<!tpu.dma_semaphore, #tpu.memory_space<semaphore_mem>>
        %dma_start3A = arith.constant 9984 : i32
        %dma_start3A_21 = arith.constant 0 : i32
        %dma_start3A_22 = tpu.memref_slice %arg9[%dma_start3A, %dma_start3A_21] : memref<10000x16xf32, #tpu.memory_space<vmem_shared>> -> memref<16x16xf32, #tpu.memory_space<vmem_shared>>
        %dma_start3A_23 = arith.constant 9984 : i32
        %dma_start3A_24 = arith.constant 0 : i32
        %dma_start3A_25 = tpu.memref_slice %arg5[%dma_start3A_23, %dma_start3A_24] : memref<10000x16xf32, #tpu.memory_space<hbm>> -> memref<16x16xf32, #tpu.memory_space<hbm>>
        tpu.enqueue_dma source(%dma_start3A_25 : memref<16x16xf32, #tpu.memory_space<hbm>>) target(%dma_start3A_22 : memref<16x16xf32, #tpu.memory_space<vmem_shared>>) target_semaphore(%run_scoped3A : memref<!tpu.dma_semaphore, #tpu.memory_space<semaphore_mem>>)
        %dma_wait3A = arith.constant 9984 : i32
        %dma_wait3A_26 = arith.constant 0 : i32
        %dma_wait3A_27 = tpu.memref_slice %arg9[%dma_wait3A, %dma_wait3A_26] : memref<10000x16xf32, #tpu.memory_space<vmem_shared>> -> memref<16x16xf32, #tpu.memory_space<vmem_shared>>
        %dma_wait3A_28 = arith.constant 9984 : i32
        %dma_wait3A_29 = arith.constant 0 : i32
        %dma_wait3A_30 = tpu.memref_slice %arg5[%dma_wait3A_28, %dma_wait3A_29] : memref<10000x16xf32, #tpu.memory_space<hbm>> -> memref<16x16xf32, #tpu.memory_space<hbm>>
        tpu.wait_dma2 semaphore(%run_scoped3A : memref<!tpu.dma_semaphore, #tpu.memory_space<semaphore_mem>>) src(%dma_wait3A_30 : memref<16x16xf32, #tpu.memory_space<hbm>>) dst(%dma_wait3A_27 : memref<16x16xf32, #tpu.memory_space<vmem_shared>>)
        tpu.yield
      }) : () -> ()
    } else {
    }
    %barrier3A = arith.constant 0 : index
    tpu.barrier barrier_id(%barrier3A)
    %get3A = arith.constant 0 : index
    %get3A_5 = tpu.vector_load %arg15[%get3A] {strides = array<i32>} : memref<16xf32, #tpu.memory_space<vmem>>, vector<16xf32>,
    %iota3A = tpu.iota {dimensions = array<i32: 0>} : vector<16xi32>
    %broadcast_in_dim3A = arith.constant 7 : i32
    %broadcast_in_dim3A_6 = vector.broadcast %broadcast_in_dim3A : i32 to vector<16xi32>
    %broadcast_in_dim3A_7 = arith.constant 8 : i32
    %broadcast_in_dim3A_8 = vector.broadcast %broadcast_in_dim3A_7 : i32 to vector<16xi32>
    %mul3A_9 = arith.constant 10000 : i32
    %mul3A_10 = arith.muli %add3A, %mul3A_9 : i32
    %scan3A = arith.constant 0 : i32
    %scan3A_11 = arith.constant 125 : i32
    %scan3A_12 = arith.addi %scan3A, %scan3A_11 : i32
    %scan3A_13 = arith.constant 1 : i32
    scf.for %scan3A_21 = %scan3A to %scan3A_12 step %scan3A_13  : i32 {
      %mul3A_22 = arith.constant 1 : i32
      %mul3A_23 = arith.muli %scan3A_21, %mul3A_22 : i32
      %add3A_24 = arith.constant 0 : i32
      %add3A_25 = arith.addi %add3A_24, %mul3A_23 : i32
      %mul3A_26 = arith.constant 80 : i32
      %mul3A_27 = arith.muli %add3A_25, %mul3A_26 : i32
      %add3A_28 = arith.addi %mul3A_10, %mul3A_27 : i32
      "tpu.region"() ({
        %run_scoped3A = tpu.sem_alloc : memref<!tpu.dma_semaphore, #tpu.memory_space<semaphore_mem>>
        %dma_start3A = tpu.memref_slice %arg2[%add3A_28] : memref<320000xi32, #tpu.memory_space<hbm>> -> memref<80xi32, #tpu.memory_space<hbm>>
        %dma_start3A_34 = tpu.memref_slice %arg2[%add3A_28] : memref<320000xi32, #tpu.memory_space<hbm>> -> memref<80xi32, #tpu.memory_space<hbm>>
        tpu.enqueue_dma source(%dma_start3A_34 : memref<80xi32, #tpu.memory_space<hbm>>) target(%arg10 : memref<80xi32, #tpu.memory_space<vmem>>) target_semaphore(%run_scoped3A : memref<!tpu.dma_semaphore, #tpu.memory_space<semaphore_mem>>)
        %dma_wait3A = tpu.memref_slice %arg2[%add3A_28] : memref<320000xi32, #tpu.memory_space<hbm>> -> memref<80xi32, #tpu.memory_space<hbm>>
        %dma_wait3A_35 = tpu.memref_slice %arg2[%add3A_28] : memref<320000xi32, #tpu.memory_space<hbm>> -> memref<80xi32, #tpu.memory_space<hbm>>
        tpu.wait_dma2 semaphore(%run_scoped3A : memref<!tpu.dma_semaphore, #tpu.memory_space<semaphore_mem>>) src(%dma_wait3A_35 : memref<80xi32, #tpu.memory_space<hbm>>) dst(%arg10 : memref<80xi32, #tpu.memory_space<vmem>>)
        tpu.yield
      }) : () -> ()
      "tpu.region"() ({
        %run_scoped3A = tpu.sem_alloc : memref<!tpu.dma_semaphore, #tpu.memory_space<semaphore_mem>>
        %dma_start3A = tpu.memref_slice %arg3[%add3A_28] : memref<320000xi32, #tpu.memory_space<hbm>> -> memref<80xi32, #tpu.memory_space<hbm>>
        %dma_start3A_34 = tpu.memref_slice %arg3[%add3A_28] : memref<320000xi32, #tpu.memory_space<hbm>> -> memref<80xi32, #tpu.memory_space<hbm>>
        tpu.enqueue_dma source(%dma_start3A_34 : memref<80xi32, #tpu.memory_space<hbm>>) target(%arg11 : memref<80xi32, #tpu.memory_space<vmem>>) target_semaphore(%run_scoped3A : memref<!tpu.dma_semaphore, #tpu.memory_space<semaphore_mem>>)
        %dma_wait3A = tpu.memref_slice %arg3[%add3A_28] : memref<320000xi32, #tpu.memory_space<hbm>> -> memref<80xi32, #tpu.memory_space<hbm>>
        %dma_wait3A_35 = tpu.memref_slice %arg3[%add3A_28] : memref<320000xi32, #tpu.memory_space<hbm>> -> memref<80xi32, #tpu.memory_space<hbm>>
        tpu.wait_dma2 semaphore(%run_scoped3A : memref<!tpu.dma_semaphore, #tpu.memory_space<semaphore_mem>>) src(%dma_wait3A_35 : memref<80xi32, #tpu.memory_space<hbm>>) dst(%arg11 : memref<80xi32, #tpu.memory_space<vmem>>)
        tpu.yield
      }) : () -> ()
      "tpu.region"() ({
        %run_scoped3A = tpu.sem_alloc : memref<!tpu.dma_semaphore, #tpu.memory_space<semaphore_mem>>
        %dma_start3A = arith.constant 0 : i32
        %dma_start3A_34 = arith.constant 0 : i32
        %dma_start3A_35 = tpu.memref_slice %arg8[%dma_start3A, %dma_start3A_34] : memref<10000x16xf32, #tpu.memory_space<vmem_shared>> -> memref<10000x16xf32, #tpu.memory_space<vmem_shared>>
        tpu.enqueue_indirect_dma source(%dma_start3A_35 : memref<10000x16xf32, #tpu.memory_space<vmem_shared>>) target(%arg12 : memref<80x16xf32, #tpu.memory_space<vmem>>) offsets(%arg10 : memref<80xi32, #tpu.memory_space<vmem>>) semaphore(%run_scoped3A : memref<!tpu.dma_semaphore, #tpu.memory_space<semaphore_mem>>)
        %dma_wait3A = arith.constant 0 : i32
        %dma_wait3A_36 = arith.constant 0 : i32
        %dma_wait3A_37 = tpu.memref_slice %arg8[%dma_wait3A, %dma_wait3A_36] : memref<10000x16xf32, #tpu.memory_space<vmem_shared>> -> memref<10000x16xf32, #tpu.memory_space<vmem_shared>>
        tpu.wait_indirect_dma semaphore(%run_scoped3A : memref<!tpu.dma_semaphore, #tpu.memory_space<semaphore_mem>>) src(%dma_wait3A_37 : memref<10000x16xf32, #tpu.memory_space<vmem_shared>>) dst(%arg12 : memref<80x16xf32, #tpu.memory_space<vmem>>)
        tpu.yield
      }) : () -> ()
      "tpu.region"() ({
        %run_scoped3A = tpu.sem_alloc : memref<!tpu.dma_semaphore, #tpu.memory_space<semaphore_mem>>
        %dma_start3A = arith.constant 0 : i32
        %dma_start3A_34 = arith.constant 0 : i32
        %dma_start3A_35 = tpu.memref_slice %arg8[%dma_start3A, %dma_start3A_34] : memref<10000x16xf32, #tpu.memory_space<vmem_shared>> -> memref<10000x16xf32, #tpu.memory_space<vmem_shared>>
        tpu.enqueue_indirect_dma source(%dma_start3A_35 : memref<10000x16xf32, #tpu.memory_space<vmem_shared>>) target(%arg13 : memref<80x16xf32, #tpu.memory_space<vmem>>) offsets(%arg11 : memref<80xi32, #tpu.memory_space<vmem>>) semaphore(%run_scoped3A : memref<!tpu.dma_semaphore, #tpu.memory_space<semaphore_mem>>)
        %dma_wait3A = arith.constant 0 : i32
        %dma_wait3A_36 = arith.constant 0 : i32
        %dma_wait3A_37 = tpu.memref_slice %arg8[%dma_wait3A, %dma_wait3A_36] : memref<10000x16xf32, #tpu.memory_space<vmem_shared>> -> memref<10000x16xf32, #tpu.memory_space<vmem_shared>>
        tpu.wait_indirect_dma semaphore(%run_scoped3A : memref<!tpu.dma_semaphore, #tpu.memory_space<semaphore_mem>>) src(%dma_wait3A_37 : memref<10000x16xf32, #tpu.memory_space<vmem_shared>>) dst(%arg13 : memref<80x16xf32, #tpu.memory_space<vmem>>)
        tpu.yield
      }) : () -> ()
      %scan3A_29 = arith.constant 0 : i32
      %scan3A_30 = arith.constant 80 : i32
      %scan3A_31 = arith.addi %scan3A_29, %scan3A_30 : i32
      %scan3A_32 = arith.constant 1 : i32
      scf.for %scan3A_34 = %scan3A_29 to %scan3A_31 step %scan3A_32  : i32 {
        %mul3A_35 = arith.constant 1 : i32
        %mul3A_36 = arith.muli %scan3A_34, %mul3A_35 : i32
        %add3A_37 = arith.constant 0 : i32
        %add3A_38 = arith.addi %add3A_37, %mul3A_36 : i32
        %broadcast_in_dim3A_39 = vector.broadcast %add3A_38 : i32 to vector<16xi32>
        %get3A_40 = arith.index_cast %add3A_38 : i32 to index
        %get3A_41 = arith.constant 0 : index
        %get3A_42 = tpu.vector_load %arg12[%get3A_40, %get3A_41] {strides = array<i32>} : memref<80x16xf32, #tpu.memory_space<vmem>>, vector<16xf32>,
        %gather3A = tpu.vector_load_idx %arg12[%broadcast_in_dim3A_39, %broadcast_in_dim3A_6] : memref<80x16xf32, #tpu.memory_space<vmem>>[vector<16xi32>, vector<16xi32>], vector<16xf32>,
        %gather3A_43 = tpu.vector_load_idx %arg13[%broadcast_in_dim3A_39, %broadcast_in_dim3A_8] : memref<80x16xf32, #tpu.memory_space<vmem>>[vector<16xi32>, vector<16xi32>], vector<16xf32>,
        %add3A_44 = arith.addf %gather3A, %gather3A_43 : vector<16xf32>
        %mul3A_45 = arith.constant 2.000000e-01 : f32
        %mul3A_46 = vector.broadcast %mul3A_45 : f32 to vector<16xf32>
        %mul3A_47 = arith.mulf %mul3A_46, %add3A_44 : vector<16xf32>
        %max3A = arith.maximumf %add3A_44, %mul3A_47 : vector<16xf32>
        %sub3A = arith.subf %max3A, %get3A_5 : vector<16xf32>
        %exp3A = math.exp %sub3A : vector<16xf32>
        %lt3A = arith.constant 7 : i32
        %lt3A_48 = vector.broadcast %lt3A : i32 to vector<16xi32>
        %lt3A_49 = arith.cmpi slt, %iota3A, %lt3A_48 : vector<16xi32>
        %mul3A_50 = arith.mulf %exp3A, %get3A_42 : vector<16xf32>
        %eq3A_51 = arith.constant 7 : i32
        %eq3A_52 = vector.broadcast %eq3A_51 : i32 to vector<16xi32>
        %eq3A_53 = arith.cmpi eq, %iota3A, %eq3A_52 : vector<16xi32>
        %broadcast_in_dim3A_54 = arith.constant 0.000000e+00 : f32
        %broadcast_in_dim3A_55 = vector.broadcast %broadcast_in_dim3A_54 : f32 to vector<16xf32>
        %select_n3A = arith.select %eq3A_53, %exp3A, %broadcast_in_dim3A_55 : vector<16xi1>, vector<16xf32>
        %select_n3A_56 = arith.select %lt3A_49, %mul3A_50, %select_n3A : vector<16xi1>, vector<16xf32>
        %swap3A = arith.index_cast %add3A_38 : i32 to index
        %swap3A_57 = arith.constant 0 : index
        %swap3A_58 = tpu.vector_load %arg14[%swap3A, %swap3A_57] {strides = array<i32>} : memref<80x16xf32, #tpu.memory_space<vmem>>, vector<16xf32>,
        tpu.vector_store %arg14[%swap3A, %swap3A_57], %select_n3A_56 {strides = array<i32>} : memref<80x16xf32, #tpu.memory_space<vmem>>, vector<16xf32>,
      }
      %scan3A_33 = arith.constant 80 : i32
      "tpu.region"() ({
        %run_scoped3A = tpu.sem_alloc : memref<!tpu.dma_semaphore, #tpu.memory_space<semaphore_mem>>
        %dma_start3A = arith.constant 0 : i32
        %dma_start3A_34 = arith.constant 0 : i32
        %dma_start3A_35 = tpu.memref_slice %arg9[%dma_start3A, %dma_start3A_34] : memref<10000x16xf32, #tpu.memory_space<vmem_shared>> -> memref<10000x16xf32, #tpu.memory_space<vmem_shared>>
        tpu.enqueue_indirect_dma source(%arg14 : memref<80x16xf32, #tpu.memory_space<vmem>>) target(%dma_start3A_35 : memref<10000x16xf32, #tpu.memory_space<vmem_shared>>) offsets(%arg11 : memref<80xi32, #tpu.memory_space<vmem>>) semaphore(%run_scoped3A : memref<!tpu.dma_semaphore, #tpu.memory_space<semaphore_mem>>) {add = true}
        %dma_wait3A = arith.constant 0 : i32
        %dma_wait3A_36 = arith.constant 0 : i32
        %dma_wait3A_37 = tpu.memref_slice %arg9[%dma_wait3A, %dma_wait3A_36] : memref<10000x16xf32, #tpu.memory_space<vmem_shared>> -> memref<10000x16xf32, #tpu.memory_space<vmem_shared>>
        tpu.wait_indirect_dma semaphore(%run_scoped3A : memref<!tpu.dma_semaphore, #tpu.memory_space<semaphore_mem>>) src(%arg14 : memref<80x16xf32, #tpu.memory_space<vmem>>) dst(%dma_wait3A_37 : memref<10000x16xf32, #tpu.memory_space<vmem_shared>>)
        tpu.yield
      }) : () -> ()
    }
    %scan3A_14 = arith.constant 125 : i32
    %barrier3A_15 = arith.constant 0 : index
    tpu.barrier barrier_id(%barrier3A_15)
    "tpu.region"() ({
      %run_scoped3A = tpu.sem_alloc : memref<!tpu.dma_semaphore, #tpu.memory_space<semaphore_mem>>
      %dma_start3A = arith.constant 0 : i32
      %dma_start3A_21 = tpu.memref_slice %arg7[%arg0, %mul3A_2, %dma_start3A] : memref<2x10000x16xf32, #tpu.memory_space<hbm>> -> memref<1x624x16xf32, #tpu.memory_space<hbm>>
      %dma_start3A_22 = tpu.memref_squeeze %dma_start3A_21 : memref<1x624x16xf32, #tpu.memory_space<hbm>> -> memref<624x16xf32, #tpu.memory_space<hbm>>
      %dma_start3A_23 = arith.constant 0 : i32
      %dma_start3A_24 = tpu.memref_slice %arg9[%mul3A_2, %dma_start3A_23] : memref<10000x16xf32, #tpu.memory_space<vmem_shared>> -> memref<624x16xf32, #tpu.memory_space<vmem_shared>>
      tpu.enqueue_dma source(%dma_start3A_24 : memref<624x16xf32, #tpu.memory_space<vmem_shared>>) target(%dma_start3A_22 : memref<624x16xf32, #tpu.memory_space<hbm>>) target_semaphore(%run_scoped3A : memref<!tpu.dma_semaphore, #tpu.memory_space<semaphore_mem>>)
      %dma_wait3A = arith.constant 0 : i32
      %dma_wait3A_25 = tpu.memref_slice %arg7[%arg0, %mul3A_2, %dma_wait3A] : memref<2x10000x16xf32, #tpu.memory_space<hbm>> -> memref<1x624x16xf32, #tpu.memory_space<hbm>>
      %dma_wait3A_26 = tpu.memref_squeeze %dma_wait3A_25 : memref<1x624x16xf32, #tpu.memory_space<hbm>> -> memref<624x16xf32, #tpu.memory_space<hbm>>
      %dma_wait3A_27 = arith.constant 0 : i32
      %dma_wait3A_28 = tpu.memref_slice %arg9[%mul3A_2, %dma_wait3A_27] : memref<10000x16xf32, #tpu.memory_space<vmem_shared>> -> memref<624x16xf32, #tpu.memory_space<vmem_shared>>
      tpu.wait_dma2 semaphore(%run_scoped3A : memref<!tpu.dma_semaphore, #tpu.memory_space<semaphore_mem>>) src(%dma_wait3A_28 : memref<624x16xf32, #tpu.memory_space<vmem_shared>>) dst(%dma_wait3A_26 : memref<624x16xf32, #tpu.memory_space<hbm>>)
      tpu.yield
    }) : () -> ()
    %eq3A_16 = arith.constant 15 : i32
    %eq3A_17 = arith.cmpi eq, %arg1, %eq3A_16 : i32
    %convert_element_type3A_18 = arith.extui %eq3A_17 : i1 to i32
    %cond3A_19 = arith.constant 0 : i32
    %cond3A_20 = arith.cmpi ne, %convert_element_type3A_18, %cond3A_19 : i32
    scf.if %cond3A_20 {
      "tpu.region"() ({
        %run_scoped3A = tpu.sem_alloc : memref<!tpu.dma_semaphore, #tpu.memory_space<semaphore_mem>>
        %dma_start3A = arith.constant 9984 : i32
        %dma_start3A_21 = arith.constant 0 : i32
        %dma_start3A_22 = tpu.memref_slice %arg7[%arg0, %dma_start3A, %dma_start3A_21] : memref<2x10000x16xf32, #tpu.memory_space<hbm>> -> memref<1x16x16xf32, #tpu.memory_space<hbm>>
        %dma_start3A_23 = tpu.memref_squeeze %dma_start3A_22 : memref<1x16x16xf32, #tpu.memory_space<hbm>> -> memref<16x16xf32, #tpu.memory_space<hbm>>
        %dma_start3A_24 = arith.constant 9984 : i32
        %dma_start3A_25 = arith.constant 0 : i32
        %dma_start3A_26 = tpu.memref_slice %arg9[%dma_start3A_24, %dma_start3A_25] : memref<10000x16xf32, #tpu.memory_space<vmem_shared>> -> memref<16x16xf32, #tpu.memory_space<vmem_shared>>
        tpu.enqueue_dma source(%dma_start3A_26 : memref<16x16xf32, #tpu.memory_space<vmem_shared>>) target(%dma_start3A_23 : memref<16x16xf32, #tpu.memory_space<hbm>>) target_semaphore(%run_scoped3A : memref<!tpu.dma_semaphore, #tpu.memory_space<semaphore_mem>>)
        %dma_wait3A = arith.constant 9984 : i32
        %dma_wait3A_27 = arith.constant 0 : i32
        %dma_wait3A_28 = tpu.memref_slice %arg7[%arg0, %dma_wait3A, %dma_wait3A_27] : memref<2x10000x16xf32, #tpu.memory_space<hbm>> -> memref<1x16x16xf32, #tpu.memory_space<hbm>>
        %dma_wait3A_29 = tpu.memref_squeeze %dma_wait3A_28 : memref<1x16x16xf32, #tpu.memory_space<hbm>> -> memref<16x16xf32, #tpu.memory_space<hbm>>
        %dma_wait3A_30 = arith.constant 9984 : i32
        %dma_wait3A_31 = arith.constant 0 : i32
        %dma_wait3A_32 = tpu.memref_slice %arg9[%dma_wait3A_30, %dma_wait3A_31] : memref<10000x16xf32, #tpu.memory_space<vmem_shared>> -> memref<16x16xf32, #tpu.memory_space<vmem_shared>>
        tpu.wait_dma2 semaphore(%run_scoped3A : memref<!tpu.dma_semaphore, #tpu.memory_space<semaphore_mem>>) src(%dma_wait3A_32 : memref<16x16xf32, #tpu.memory_space<vmem_shared>>) dst(%dma_wait3A_29 : memref<16x16xf32, #tpu.memory_space<hbm>>)
        tpu.yield
      }) : () -> ()
    } else {
    }
    return
  }
}

module attributes {stable_mosaic.version = 14 : i64} {
  func.func @_tc_a_body(%arg0: i32, %arg1: memref<1000x128xf32, #tpu.memory_space<vmem>>, %arg2: memref<128x64xf32, #tpu.memory_space<vmem>>, %arg3: memref<64x8xf32, #tpu.memory_space<vmem>>, %arg4: memref<64x8xf32, #tpu.memory_space<vmem>>, %arg5: memref<1000x64xf32, #tpu.memory_space<vmem>>, %arg6: memref<1000x16xf32, #tpu.memory_space<vmem>>, %arg7: memref<1x16xf32, #tpu.memory_space<vmem>>, %arg8: memref<1x16xf32, #tpu.memory_space<vmem>>) attributes {dimension_semantics = [#tpu.dimension_semantics<arbitrary>], iteration_bounds = array<i64: 10>, scalar_prefetch = 0 : i64, scratch_operands = 0 : i64, tpu.core_type = #tpu.core_type<tc>, window_params = [{transform_indices = @transform_0, window_bounds = array<i64: 1000, 128>}, {pipeline_mode = #tpu.pipeline_mode<synchronous>, transform_indices = @transform_1, window_bounds = array<i64: 128, 64>}, {pipeline_mode = #tpu.pipeline_mode<synchronous>, transform_indices = @transform_2, window_bounds = array<i64: 64, 8>}, {pipeline_mode = #tpu.pipeline_mode<synchronous>, transform_indices = @transform_3, window_bounds = array<i64: 64, 8>}, {transform_indices = @transform_4, window_bounds = array<i64: 1000, 64>}, {transform_indices = @transform_5, window_bounds = array<i64: 1000, 16>}, {pipeline_mode = #tpu.pipeline_mode<synchronous>, transform_indices = @transform_6, window_bounds = array<i64: 1, 16>}, {pipeline_mode = #tpu.pipeline_mode<synchronous>, transform_indices = @transform_7, window_bounds = array<i64: 1, 16>}]} {
    %get3A = arith.constant 0 : index
    %get3A_0 = arith.constant 0 : index
    %get3A_1 = vector.load %arg1[%get3A, %get3A_0] : memref<1000x128xf32, #tpu.memory_space<vmem>>, vector<1000x128xf32>
    %get3A_2 = arith.constant 0 : index
    %get3A_3 = arith.constant 0 : index
    %get3A_4 = vector.load %arg2[%get3A_2, %get3A_3] : memref<128x64xf32, #tpu.memory_space<vmem>>, vector<128x64xf32>
    %dot_general3A = arith.constant dense<0.000000e+00> : vector<1000x64xf32>
    %dot_general3A_5 = tpu.matmul %get3A_1, %get3A_4, %dot_general3A {dimension_numbers = #tpu.dot_dimension_numbers<[1], [0], [0], [1], [0, 0, 1, 1], [], []>, transpose_lhs_hint = false} : vector<1000x128xf32>, vector<128x64xf32>, vector<1000x64xf32> -> vector<1000x64xf32>
    %swap3A = arith.constant 0 : index
    %swap3A_6 = arith.constant 0 : index
    %swap3A_7 = vector.load %arg5[%swap3A, %swap3A_6] : memref<1000x64xf32, #tpu.memory_space<vmem>>, vector<1000x64xf32>
    tpu.vector_store %arg5[%swap3A, %swap3A_6], %dot_general3A_5 {strides = array<i32>} : memref<1000x64xf32, #tpu.memory_space<vmem>>, vector<1000x64xf32>,
    %get3A_8 = arith.constant 0 : index
    %get3A_9 = arith.constant 0 : index
    %get3A_10 = vector.load %arg3[%get3A_8, %get3A_9] : memref<64x8xf32, #tpu.memory_space<vmem>>, vector<64x8xf32>
    %dot_general3A_11 = arith.constant dense<0.000000e+00> : vector<1000x8xf32>
    %dot_general3A_12 = tpu.matmul %dot_general3A_5, %get3A_10, %dot_general3A_11 {dimension_numbers = #tpu.dot_dimension_numbers<[1], [0], [0], [1], [0, 0, 1, 1], [], []>, transpose_lhs_hint = false} : vector<1000x64xf32>, vector<64x8xf32>, vector<1000x8xf32> -> vector<1000x8xf32>
    %get3A_13 = arith.constant 0 : index
    %get3A_14 = arith.constant 0 : index
    %get3A_15 = vector.load %arg4[%get3A_13, %get3A_14] : memref<64x8xf32, #tpu.memory_space<vmem>>, vector<64x8xf32>
    %dot_general3A_16 = arith.constant dense<0.000000e+00> : vector<1000x8xf32>
    %dot_general3A_17 = tpu.matmul %dot_general3A_5, %get3A_15, %dot_general3A_16 {dimension_numbers = #tpu.dot_dimension_numbers<[1], [0], [0], [1], [0, 0, 1, 1], [], []>, transpose_lhs_hint = false} : vector<1000x64xf32>, vector<64x8xf32>, vector<1000x8xf32> -> vector<1000x8xf32>
    %concatenate3A = tpu.concatenate %dot_general3A_12, %dot_general3A_17 in 1 : vector<1000x8xf32>, vector<1000x8xf32> -> vector<1000x16xf32>
    %swap3A_18 = arith.constant 0 : index
    %swap3A_19 = arith.constant 0 : index
    %swap3A_20 = vector.load %arg6[%swap3A_18, %swap3A_19] : memref<1000x16xf32, #tpu.memory_space<vmem>>, vector<1000x16xf32>
    tpu.vector_store %arg6[%swap3A_18, %swap3A_19], %concatenate3A {strides = array<i32>} : memref<1000x16xf32, #tpu.memory_space<vmem>>, vector<1000x16xf32>,
    %reduce_max3A = arith.constant dense<0xFF800000> : vector<8xf32>
    %reduce_max3A_21 = vector.multi_reduction <maximumf>, %dot_general3A_12, %reduce_max3A [0] : vector<1000x8xf32> to vector<8xf32>
    %broadcast_in_dim3A = vector.shape_cast %reduce_max3A_21 : vector<8xf32> to vector<1x8xf32>
    %reduce_max3A_22 = arith.constant dense<0xFF800000> : vector<8xf32>
    %reduce_max3A_23 = vector.multi_reduction <maximumf>, %dot_general3A_17, %reduce_max3A_22 [0] : vector<1000x8xf32> to vector<8xf32>
    %broadcast_in_dim3A_24 = vector.shape_cast %reduce_max3A_23 : vector<8xf32> to vector<1x8xf32>
    %concatenate3A_25 = tpu.concatenate %broadcast_in_dim3A, %broadcast_in_dim3A_24 in 1 : vector<1x8xf32>, vector<1x8xf32> -> vector<1x16xf32>
    %eq3A = arith.constant 0 : i32
    %eq3A_26 = arith.cmpi eq, %arg0, %eq3A : i32
    %convert_element_type3A = arith.extui %eq3A_26 : i1 to i32
    %cond3A = arith.constant 0 : i32
    %cond3A_27 = arith.cmpi ne, %convert_element_type3A, %cond3A : i32
    scf.if %cond3A_27 {
      %swap3A_37 = arith.constant 0 : index
      %swap3A_38 = arith.constant 0 : index
      %swap3A_39 = vector.load %arg7[%swap3A_37, %swap3A_38] : memref<1x16xf32, #tpu.memory_space<vmem>>, vector<1x16xf32>
      tpu.vector_store %arg7[%swap3A_37, %swap3A_38], %concatenate3A_25 {strides = array<i32>} : memref<1x16xf32, #tpu.memory_space<vmem>>, vector<1x16xf32>,
    } else {
    }
    %gt3A = arith.constant 0 : i32
    %gt3A_28 = arith.cmpi sgt, %arg0, %gt3A : i32
    %convert_element_type3A_29 = arith.extui %gt3A_28 : i1 to i32
    %cond3A_30 = arith.constant 0 : i32
    %cond3A_31 = arith.cmpi ne, %convert_element_type3A_29, %cond3A_30 : i32
    scf.if %cond3A_31 {
      %get3A_37 = arith.constant 0 : index
      %get3A_38 = arith.constant 0 : index
      %get3A_39 = vector.load %arg7[%get3A_37, %get3A_38] : memref<1x16xf32, #tpu.memory_space<vmem>>, vector<1x16xf32>
      %max3A = arith.maximumf %get3A_39, %concatenate3A_25 : vector<1x16xf32>
      %swap3A_40 = arith.constant 0 : index
      %swap3A_41 = arith.constant 0 : index
      %swap3A_42 = vector.load %arg7[%swap3A_40, %swap3A_41] : memref<1x16xf32, #tpu.memory_space<vmem>>, vector<1x16xf32>
      tpu.vector_store %arg7[%swap3A_40, %swap3A_41], %max3A {strides = array<i32>} : memref<1x16xf32, #tpu.memory_space<vmem>>, vector<1x16xf32>,
    } else {
    }
    %eq3A_32 = arith.constant 9 : i32
    %eq3A_33 = arith.cmpi eq, %arg0, %eq3A_32 : i32
    %convert_element_type3A_34 = arith.extui %eq3A_33 : i1 to i32
    %cond3A_35 = arith.constant 0 : i32
    %cond3A_36 = arith.cmpi ne, %convert_element_type3A_34, %cond3A_35 : i32
    scf.if %cond3A_36 {
      %get3A_37 = arith.constant 0 : index
      %get3A_38 = arith.constant 0 : index
      %get3A_39 = vector.load %arg7[%get3A_37, %get3A_38] : memref<1x16xf32, #tpu.memory_space<vmem>>, vector<1x16xf32>
      %slice3A = vector.extract_strided_slice %get3A_39 {offsets = [0, 0], sizes = [1, 8], strides = [1, 1]} : vector<1x16xf32> to vector<1x8xf32>
      %slice3A_40 = vector.extract_strided_slice %get3A_39 {offsets = [0, 8], sizes = [1, 8], strides = [1, 1]} : vector<1x16xf32> to vector<1x8xf32>
      %add3A = arith.addf %slice3A, %slice3A_40 : vector<1x8xf32>
      %broadcast_in_dim3A_41 = arith.constant 1.000000e+30 : f32
      %broadcast_in_dim3A_42 = vector.broadcast %broadcast_in_dim3A_41 : f32 to vector<1x8xf32>
      %concatenate3A_43 = tpu.concatenate %add3A, %broadcast_in_dim3A_42 in 1 : vector<1x8xf32>, vector<1x8xf32> -> vector<1x16xf32>
      %swap3A_44 = arith.constant 0 : index
      %swap3A_45 = arith.constant 0 : index
      %swap3A_46 = vector.load %arg8[%swap3A_44, %swap3A_45] : memref<1x16xf32, #tpu.memory_space<vmem>>, vector<1x16xf32>
      tpu.vector_store %arg8[%swap3A_44, %swap3A_45], %concatenate3A_43 {strides = array<i32>} : memref<1x16xf32, #tpu.memory_space<vmem>>, vector<1x16xf32>,
    } else {
    }
    return
  }
  func.func @transform_0(%arg0: i32) -> (i32, i32) {
    %c0_i32 = arith.constant 0 : i32
    %c0_i32_0 = arith.constant 0 : i32
    return %arg0, %c0_i32 : i32, i32
  }
  func.func @transform_1(%arg0: i32) -> (i32, i32) {
    %c0_i32 = arith.constant 0 : i32
    %c0_i32_0 = arith.constant 0 : i32
    %c0_i32_1 = arith.constant 0 : i32
    return %c0_i32, %c0_i32_0 : i32, i32
  }
  func.func @transform_2(%arg0: i32) -> (i32, i32) {
    %c0_i32 = arith.constant 0 : i32
    %c0_i32_0 = arith.constant 0 : i32
    %c0_i32_1 = arith.constant 0 : i32
    return %c0_i32, %c0_i32_0 : i32, i32
  }
  func.func @transform_3(%arg0: i32) -> (i32, i32) {
    %c0_i32 = arith.constant 0 : i32
    %c0_i32_0 = arith.constant 0 : i32
    %c0_i32_1 = arith.constant 0 : i32
    return %c0_i32, %c0_i32_0 : i32, i32
  }
  func.func @transform_4(%arg0: i32) -> (i32, i32) {
    %c0_i32 = arith.constant 0 : i32
    %c0_i32_0 = arith.constant 0 : i32
    return %arg0, %c0_i32 : i32, i32
  }
  func.func @transform_5(%arg0: i32) -> (i32, i32) {
    %c0_i32 = arith.constant 0 : i32
    %c0_i32_0 = arith.constant 0 : i32
    return %arg0, %c0_i32 : i32, i32
  }
  func.func @transform_6(%arg0: i32) -> (i32, i32) {
    %c0_i32 = arith.constant 0 : i32
    %c0_i32_0 = arith.constant 0 : i32
    %c0_i32_1 = arith.constant 0 : i32
    return %c0_i32, %c0_i32_0 : i32, i32
  }
  func.func @transform_7(%arg0: i32) -> (i32, i32) {
    %c0_i32 = arith.constant 0 : i32
    %c0_i32_0 = arith.constant 0 : i32
    %c0_i32_1 = arith.constant 0 : i32
    return %c0_i32, %c0_i32_0 : i32, i32
  }
}

module attributes {stable_mosaic.version = 14 : i64} {
  func.func @_tc_b_body(%arg0: i32, %arg1: memref<2x1000x80xf32, #tpu.memory_space<vmem>>, %arg2: memref<1000x64xf32, #tpu.memory_space<vmem>>, %arg3: memref<1000x16xf32, #tpu.memory_space<vmem>>, %arg4: memref<1x16xf32, #tpu.memory_space<vmem>>, %arg5: memref<1x64xf32, #tpu.memory_space<vmem>>, %arg6: memref<64x16xf32, #tpu.memory_space<vmem>>, %arg7: memref<8x64xf32, #tpu.memory_space<vmem>>, %arg8: memref<1000x16xf32, #tpu.memory_space<vmem>>, %arg9: memref<1x16xf32, #tpu.memory_space<vmem>>, %arg10: memref<1x16xf32, #tpu.memory_space<vmem>>) attributes {dimension_semantics = [#tpu.dimension_semantics<arbitrary>], iteration_bounds = array<i64: 10>, scalar_prefetch = 0 : i64, scratch_operands = 0 : i64, tpu.core_type = #tpu.core_type<tc>, window_params = [{transform_indices = @transform_0, window_bounds = array<i64: 2, 1000, 80>}, {transform_indices = @transform_1, window_bounds = array<i64: 1000, 64>}, {transform_indices = @transform_2, window_bounds = array<i64: 1000, 16>}, {pipeline_mode = #tpu.pipeline_mode<synchronous>, transform_indices = @transform_3, window_bounds = array<i64: 1, 16>}, {pipeline_mode = #tpu.pipeline_mode<synchronous>, transform_indices = @transform_4, window_bounds = array<i64: 1, 64>}, {pipeline_mode = #tpu.pipeline_mode<synchronous>, transform_indices = @transform_5, window_bounds = array<i64: 64, 16>}, {pipeline_mode = #tpu.pipeline_mode<synchronous>, transform_indices = @transform_6, window_bounds = array<i64: 8, 64>}, {transform_indices = @transform_7, window_bounds = array<i64: 1000, 16>}, {pipeline_mode = #tpu.pipeline_mode<synchronous>, transform_indices = @transform_8, window_bounds = array<i64: 1, 16>}, {pipeline_mode = #tpu.pipeline_mode<synchronous>, transform_indices = @transform_9, window_bounds = array<i64: 1, 16>}]} {
    %get3A = arith.constant 0 : index
    %get3A_0 = arith.constant 0 : index
    %get3A_1 = arith.constant 0 : index
    %get3A_2 = vector.load %arg1[%get3A, %get3A_0, %get3A_1] : memref<2x1000x80xf32, #tpu.memory_space<vmem>>, vector<1x1000x80xf32>
    %get3A_3 = vector.shape_cast %get3A_2 : vector<1x1000x80xf32> to vector<1000x80xf32>
    %get3A_4 = arith.constant 1 : index
    %get3A_5 = arith.constant 0 : index
    %get3A_6 = arith.constant 0 : index
    %get3A_7 = vector.load %arg1[%get3A_4, %get3A_5, %get3A_6] : memref<2x1000x80xf32, #tpu.memory_space<vmem>>, vector<1x1000x80xf32>
    %get3A_8 = vector.shape_cast %get3A_7 : vector<1x1000x80xf32> to vector<1000x80xf32>
    %slice3A = vector.extract_strided_slice %get3A_3 {offsets = [0, 0], sizes = [1000, 64], strides = [1, 1]} : vector<1000x80xf32> to vector<1000x64xf32>
    %slice3A_9 = vector.extract_strided_slice %get3A_8 {offsets = [0, 0], sizes = [1000, 64], strides = [1, 1]} : vector<1000x80xf32> to vector<1000x64xf32>
    %add3A = arith.addf %slice3A, %slice3A_9 : vector<1000x64xf32>
    %slice3A_10 = vector.extract_strided_slice %get3A_3 {offsets = [0, 64], sizes = [1000, 8], strides = [1, 1]} : vector<1000x80xf32> to vector<1000x8xf32>
    %slice3A_11 = vector.extract_strided_slice %get3A_8 {offsets = [0, 64], sizes = [1000, 8], strides = [1, 1]} : vector<1000x80xf32> to vector<1000x8xf32>
    %add3A_12 = arith.addf %slice3A_10, %slice3A_11 : vector<1000x8xf32>
    %get3A_13 = arith.constant 0 : index
    %get3A_14 = arith.constant 0 : index
    %get3A_15 = vector.load %arg3[%get3A_13, %get3A_14] : memref<1000x16xf32, #tpu.memory_space<vmem>>, vector<1000x16xf32>
    %slice3A_16 = vector.extract_strided_slice %get3A_15 {offsets = [0, 0], sizes = [1000, 8], strides = [1, 1]} : vector<1000x16xf32> to vector<1000x8xf32>
    %slice3A_17 = vector.extract_strided_slice %get3A_15 {offsets = [0, 8], sizes = [1000, 8], strides = [1, 1]} : vector<1000x16xf32> to vector<1000x8xf32>
    %add3A_18 = arith.addf %slice3A_16, %slice3A_17 : vector<1000x8xf32>
    %mul3A = arith.constant 2.000000e-01 : f32
    %mul3A_19 = vector.broadcast %mul3A : f32 to vector<1000x8xf32>
    %mul3A_20 = arith.mulf %mul3A_19, %add3A_18 : vector<1000x8xf32>
    %max3A = arith.maximumf %add3A_18, %mul3A_20 : vector<1000x8xf32>
    %get3A_21 = arith.constant 0 : index
    %get3A_22 = arith.constant 0 : index
    %get3A_23 = vector.load %arg4[%get3A_21, %get3A_22] : memref<1x16xf32, #tpu.memory_space<vmem>>, vector<1x8xf32>
    %get3A_24 = vector.shape_cast %get3A_23 : vector<1x8xf32> to vector<8xf32>
    %broadcast_in_dim3A = vector.shape_cast %get3A_24 : vector<8xf32> to vector<1x8xf32>
    %sub3A = vector.broadcast %broadcast_in_dim3A : vector<1x8xf32> to vector<1000x8xf32>
    %sub3A_25 = arith.subf %max3A, %sub3A : vector<1000x8xf32>
    %exp3A = math.exp %sub3A_25 : vector<1000x8xf32>
    %get3A_26 = arith.constant 0 : index
    %get3A_27 = arith.constant 0 : index
    %get3A_28 = vector.load %arg2[%get3A_26, %get3A_27] : memref<1000x64xf32, #tpu.memory_space<vmem>>, vector<1000x64xf32>
    %get3A_29 = arith.constant 0 : index
    %get3A_30 = arith.constant 0 : index
    %get3A_31 = vector.load %arg7[%get3A_29, %get3A_30] : memref<8x64xf32, #tpu.memory_space<vmem>>, vector<8x64xf32>
    %dot_general3A = arith.constant dense<0.000000e+00> : vector<1000x64xf32>
    %dot_general3A_32 = tpu.matmul %exp3A, %get3A_31, %dot_general3A {dimension_numbers = #tpu.dot_dimension_numbers<[1], [0], [0], [1], [0, 0, 1, 1], [], []>, transpose_lhs_hint = false} : vector<1000x8xf32>, vector<8x64xf32>, vector<1000x64xf32> -> vector<1000x64xf32>
    %mul3A_33 = arith.mulf %dot_general3A_32, %get3A_28 : vector<1000x64xf32>
    %add3A_34 = arith.addf %add3A, %mul3A_33 : vector<1000x64xf32>
    %add3A_35 = arith.addf %add3A_12, %exp3A : vector<1000x8xf32>
    %dot_general3A_36 = arith.constant dense<0.000000e+00> : vector<1000x64xf32>
    %dot_general3A_37 = tpu.matmul %add3A_35, %get3A_31, %dot_general3A_36 {dimension_numbers = #tpu.dot_dimension_numbers<[1], [0], [0], [1], [0, 0, 1, 1], [], []>, transpose_lhs_hint = false} : vector<1000x8xf32>, vector<8x64xf32>, vector<1000x64xf32> -> vector<1000x64xf32>
    %add3A_38 = arith.constant 1.000000e-16 : f32
    %add3A_39 = vector.broadcast %add3A_38 : f32 to vector<1000x64xf32>
    %add3A_40 = arith.addf %dot_general3A_37, %add3A_39 : vector<1000x64xf32>
    %div3A = arith.divf %add3A_34, %add3A_40 : vector<1000x64xf32>
    %get3A_41 = arith.constant 0 : index
    %get3A_42 = arith.constant 0 : index
    %get3A_43 = vector.load %arg5[%get3A_41, %get3A_42] : memref<1x64xf32, #tpu.memory_space<vmem>>, vector<1x64xf32>
    %add3A_44 = vector.broadcast %get3A_43 : vector<1x64xf32> to vector<1000x64xf32>
    %add3A_45 = arith.addf %div3A, %add3A_44 : vector<1000x64xf32>
    %max3A_46 = arith.constant 0.000000e+00 : f32
    %max3A_47 = vector.broadcast %max3A_46 : f32 to vector<1000x64xf32>
    %max3A_48 = arith.maximumf %add3A_45, %max3A_47 : vector<1000x64xf32>
    %get3A_49 = arith.constant 0 : index
    %get3A_50 = arith.constant 0 : index
    %get3A_51 = vector.load %arg6[%get3A_49, %get3A_50] : memref<64x16xf32, #tpu.memory_space<vmem>>, vector<64x16xf32>
    %dot_general3A_52 = arith.constant dense<0.000000e+00> : vector<1000x16xf32>
    %dot_general3A_53 = tpu.matmul %max3A_48, %get3A_51, %dot_general3A_52 {dimension_numbers = #tpu.dot_dimension_numbers<[1], [0], [0], [1], [0, 0, 1, 1], [], []>, transpose_lhs_hint = false} : vector<1000x64xf32>, vector<64x16xf32>, vector<1000x16xf32> -> vector<1000x16xf32>
    %swap3A = arith.constant 0 : index
    %swap3A_54 = arith.constant 0 : index
    %swap3A_55 = vector.load %arg8[%swap3A, %swap3A_54] : memref<1000x16xf32, #tpu.memory_space<vmem>>, vector<1000x16xf32>
    tpu.vector_store %arg8[%swap3A, %swap3A_54], %dot_general3A_53 {strides = array<i32>} : memref<1000x16xf32, #tpu.memory_space<vmem>>, vector<1000x16xf32>,
    %reduce_max3A = arith.constant dense<0xFF800000> : vector<16xf32>
    %reduce_max3A_56 = vector.multi_reduction <maximumf>, %dot_general3A_53, %reduce_max3A [0] : vector<1000x16xf32> to vector<16xf32>
    %broadcast_in_dim3A_57 = vector.shape_cast %reduce_max3A_56 : vector<16xf32> to vector<1x16xf32>
    %eq3A = arith.constant 0 : i32
    %eq3A_58 = arith.cmpi eq, %arg0, %eq3A : i32
    %convert_element_type3A = arith.extui %eq3A_58 : i1 to i32
    %cond3A = arith.constant 0 : i32
    %cond3A_59 = arith.cmpi ne, %convert_element_type3A, %cond3A : i32
    scf.if %cond3A_59 {
      %swap3A_69 = arith.constant 0 : index
      %swap3A_70 = arith.constant 0 : index
      %swap3A_71 = vector.load %arg9[%swap3A_69, %swap3A_70] : memref<1x16xf32, #tpu.memory_space<vmem>>, vector<1x16xf32>
      tpu.vector_store %arg9[%swap3A_69, %swap3A_70], %broadcast_in_dim3A_57 {strides = array<i32>} : memref<1x16xf32, #tpu.memory_space<vmem>>, vector<1x16xf32>,
    } else {
    }
    %gt3A = arith.constant 0 : i32
    %gt3A_60 = arith.cmpi sgt, %arg0, %gt3A : i32
    %convert_element_type3A_61 = arith.extui %gt3A_60 : i1 to i32
    %cond3A_62 = arith.constant 0 : i32
    %cond3A_63 = arith.cmpi ne, %convert_element_type3A_61, %cond3A_62 : i32
    scf.if %cond3A_63 {
      %get3A_69 = arith.constant 0 : index
      %get3A_70 = arith.constant 0 : index
      %get3A_71 = vector.load %arg9[%get3A_69, %get3A_70] : memref<1x16xf32, #tpu.memory_space<vmem>>, vector<1x16xf32>
      %max3A_72 = arith.maximumf %get3A_71, %broadcast_in_dim3A_57 : vector<1x16xf32>
      %swap3A_73 = arith.constant 0 : index
      %swap3A_74 = arith.constant 0 : index
      %swap3A_75 = vector.load %arg9[%swap3A_73, %swap3A_74] : memref<1x16xf32, #tpu.memory_space<vmem>>, vector<1x16xf32>
      tpu.vector_store %arg9[%swap3A_73, %swap3A_74], %max3A_72 {strides = array<i32>} : memref<1x16xf32, #tpu.memory_space<vmem>>, vector<1x16xf32>,
    } else {
    }
    %eq3A_64 = arith.constant 9 : i32
    %eq3A_65 = arith.cmpi eq, %arg0, %eq3A_64 : i32
    %convert_element_type3A_66 = arith.extui %eq3A_65 : i1 to i32
    %cond3A_67 = arith.constant 0 : i32
    %cond3A_68 = arith.cmpi ne, %convert_element_type3A_66, %cond3A_67 : i32
    scf.if %cond3A_68 {
      %get3A_69 = arith.constant 0 : index
      %get3A_70 = arith.constant 0 : index
      %get3A_71 = vector.load %arg9[%get3A_69, %get3A_70] : memref<1x16xf32, #tpu.memory_space<vmem>>, vector<1x16xf32>
      %slice3A_72 = vector.extract_strided_slice %get3A_71 {offsets = [0, 7], sizes = [1, 1], strides = [1, 1]} : vector<1x16xf32> to vector<1x1xf32>
      %squeeze3A = vector.extract %slice3A_72[0, 0] : f32 from vector<1x1xf32>
      %slice3A_73 = vector.extract_strided_slice %get3A_71 {offsets = [0, 8], sizes = [1, 1], strides = [1, 1]} : vector<1x16xf32> to vector<1x1xf32>
      %squeeze3A_74 = vector.extract %slice3A_73[0, 0] : f32 from vector<1x1xf32>
      %add3A_75 = arith.addf %squeeze3A, %squeeze3A_74 : f32
      %broadcast_in_dim3A_76 = vector.broadcast %add3A_75 : f32 to vector<1x16xf32>
      %swap3A_77 = arith.constant 0 : index
      %swap3A_78 = arith.constant 0 : index
      %swap3A_79 = vector.load %arg10[%swap3A_77, %swap3A_78] : memref<1x16xf32, #tpu.memory_space<vmem>>, vector<1x16xf32>
      tpu.vector_store %arg10[%swap3A_77, %swap3A_78], %broadcast_in_dim3A_76 {strides = array<i32>} : memref<1x16xf32, #tpu.memory_space<vmem>>, vector<1x16xf32>,
    } else {
    }
    return
  }
  func.func @transform_0(%arg0: i32) -> (i32, i32, i32) {
    %c0_i32 = arith.constant 0 : i32
    %c0_i32_0 = arith.constant 0 : i32
    %c0_i32_1 = arith.constant 0 : i32
    return %c0_i32, %arg0, %c0_i32_0 : i32, i32, i32
  }
  func.func @transform_1(%arg0: i32) -> (i32, i32) {
    %c0_i32 = arith.constant 0 : i32
    %c0_i32_0 = arith.constant 0 : i32
    return %arg0, %c0_i32 : i32, i32
  }
  func.func @transform_2(%arg0: i32) -> (i32, i32) {
    %c0_i32 = arith.constant 0 : i32
    %c0_i32_0 = arith.constant 0 : i32
    return %arg0, %c0_i32 : i32, i32
  }
  func.func @transform_3(%arg0: i32) -> (i32, i32) {
    %c0_i32 = arith.constant 0 : i32
    %c0_i32_0 = arith.constant 0 : i32
    %c0_i32_1 = arith.constant 0 : i32
    return %c0_i32, %c0_i32_0 : i32, i32
  }
  func.func @transform_4(%arg0: i32) -> (i32, i32) {
    %c0_i32 = arith.constant 0 : i32
    %c0_i32_0 = arith.constant 0 : i32
    %c0_i32_1 = arith.constant 0 : i32
    return %c0_i32, %c0_i32_0 : i32, i32
  }
  func.func @transform_5(%arg0: i32) -> (i32, i32) {
    %c0_i32 = arith.constant 0 : i32
    %c0_i32_0 = arith.constant 0 : i32
    %c0_i32_1 = arith.constant 0 : i32
    return %c0_i32, %c0_i32_0 : i32, i32
  }
  func.func @transform_6(%arg0: i32) -> (i32, i32) {
    %c0_i32 = arith.constant 0 : i32
    %c0_i32_0 = arith.constant 0 : i32
    %c0_i32_1 = arith.constant 0 : i32
    return %c0_i32, %c0_i32_0 : i32, i32
  }
  func.func @transform_7(%arg0: i32) -> (i32, i32) {
    %c0_i32 = arith.constant 0 : i32
    %c0_i32_0 = arith.constant 0 : i32
    return %arg0, %c0_i32 : i32, i32
  }
  func.func @transform_8(%arg0: i32) -> (i32, i32) {
    %c0_i32 = arith.constant 0 : i32
    %c0_i32_0 = arith.constant 0 : i32
    %c0_i32_1 = arith.constant 0 : i32
    return %c0_i32, %c0_i32_0 : i32, i32
  }
  func.func @transform_9(%arg0: i32) -> (i32, i32) {
    %c0_i32 = arith.constant 0 : i32
    %c0_i32_0 = arith.constant 0 : i32
    %c0_i32_1 = arith.constant 0 : i32
    return %c0_i32, %c0_i32_0 : i32, i32
  }
}

module attributes {stable_mosaic.version = 14 : i64} {
  func.func @_tc_c_body(%arg0: i32, %arg1: memref<2x1000x16xf32, #tpu.memory_space<vmem>>, %arg2: memref<1000x16xf32, #tpu.memory_space<vmem>>, %arg3: memref<1x16xf32, #tpu.memory_space<vmem>>, %arg4: memref<1x16xf32, #tpu.memory_space<vmem>>, %arg5: memref<1000x7xf32, #tpu.memory_space<vmem>>) attributes {dimension_semantics = [#tpu.dimension_semantics<arbitrary>], iteration_bounds = array<i64: 10>, scalar_prefetch = 0 : i64, scratch_operands = 0 : i64, tpu.core_type = #tpu.core_type<tc>, window_params = [{transform_indices = @transform_0, window_bounds = array<i64: 2, 1000, 16>}, {transform_indices = @transform_1, window_bounds = array<i64: 1000, 16>}, {pipeline_mode = #tpu.pipeline_mode<synchronous>, transform_indices = @transform_2, window_bounds = array<i64: 1, 16>}, {pipeline_mode = #tpu.pipeline_mode<synchronous>, transform_indices = @transform_3, window_bounds = array<i64: 1, 16>}, {transform_indices = @transform_4, window_bounds = array<i64: 1000, 7>}]} {
    %get3A = arith.constant 0 : index
    %get3A_0 = arith.constant 0 : index
    %get3A_1 = arith.constant 0 : index
    %get3A_2 = vector.load %arg1[%get3A, %get3A_0, %get3A_1] : memref<2x1000x16xf32, #tpu.memory_space<vmem>>, vector<1x1000x16xf32>
    %get3A_3 = vector.shape_cast %get3A_2 : vector<1x1000x16xf32> to vector<1000x16xf32>
    %get3A_4 = arith.constant 1 : index
    %get3A_5 = arith.constant 0 : index
    %get3A_6 = arith.constant 0 : index
    %get3A_7 = vector.load %arg1[%get3A_4, %get3A_5, %get3A_6] : memref<2x1000x16xf32, #tpu.memory_space<vmem>>, vector<1x1000x16xf32>
    %get3A_8 = vector.shape_cast %get3A_7 : vector<1x1000x16xf32> to vector<1000x16xf32>
    %add3A = arith.addf %get3A_3, %get3A_8 : vector<1000x16xf32>
    %get3A_9 = arith.constant 0 : index
    %get3A_10 = arith.constant 0 : index
    %get3A_11 = vector.load %arg2[%get3A_9, %get3A_10] : memref<1000x16xf32, #tpu.memory_space<vmem>>, vector<1000x16xf32>
    %slice3A = vector.extract_strided_slice %get3A_11 {offsets = [0, 7], sizes = [1000, 1], strides = [1, 1]} : vector<1000x16xf32> to vector<1000x1xf32>
    %slice3A_12 = vector.extract_strided_slice %get3A_11 {offsets = [0, 8], sizes = [1000, 1], strides = [1, 1]} : vector<1000x16xf32> to vector<1000x1xf32>
    %add3A_13 = arith.addf %slice3A, %slice3A_12 : vector<1000x1xf32>
    %mul3A = arith.constant 2.000000e-01 : f32
    %mul3A_14 = vector.broadcast %mul3A : f32 to vector<1000x1xf32>
    %mul3A_15 = arith.mulf %mul3A_14, %add3A_13 : vector<1000x1xf32>
    %max3A = arith.maximumf %add3A_13, %mul3A_15 : vector<1000x1xf32>
    %get3A_16 = arith.constant 0 : index
    %get3A_17 = arith.constant 0 : index
    %get3A_18 = vector.load %arg3[%get3A_16, %get3A_17] : memref<1x16xf32, #tpu.memory_space<vmem>>, vector<1x1xf32>
    %get3A_19 = vector.extract %get3A_18[0, 0] : f32 from vector<1x1xf32>
    %sub3A = vector.broadcast %get3A_19 : f32 to vector<1000x1xf32>
    %sub3A_20 = arith.subf %max3A, %sub3A : vector<1000x1xf32>
    %exp3A = math.exp %sub3A_20 : vector<1000x1xf32>
    %iota3A = tpu.iota {dimensions = array<i32: 1>} : vector<1000x16xi32>
    %lt3A = arith.constant 7 : i32
    %lt3A_21 = vector.broadcast %lt3A : i32 to vector<1000x16xi32>
    %lt3A_22 = arith.cmpi slt, %iota3A, %lt3A_21 : vector<1000x16xi32>
    %mul3A_23 = vector.broadcast %exp3A : vector<1000x1xf32> to vector<1000x16xf32>
    %mul3A_24 = arith.mulf %mul3A_23, %get3A_11 : vector<1000x16xf32>
    %eq3A = arith.constant 7 : i32
    %eq3A_25 = vector.broadcast %eq3A : i32 to vector<1000x16xi32>
    %eq3A_26 = arith.cmpi eq, %iota3A, %eq3A_25 : vector<1000x16xi32>
    %broadcast_in_dim3A = vector.shape_cast %exp3A : vector<1000x1xf32> to vector<1000x1xf32>
    %broadcast_in_dim3A_27 = vector.broadcast %broadcast_in_dim3A : vector<1000x1xf32> to vector<1000x16xf32>
    %jit3A = arith.constant 0.000000e+00 : f32
    %broadcast_in_dim3A_28 = vector.broadcast %jit3A : f32 to vector<1000x16xf32>
    %select_n3A = arith.select %eq3A_26, %broadcast_in_dim3A_27, %broadcast_in_dim3A_28 : vector<1000x16xi1>, vector<1000x16xf32>
    %select_n3A_29 = arith.select %lt3A_22, %mul3A_24, %select_n3A : vector<1000x16xi1>, vector<1000x16xf32>
    %add3A_30 = arith.addf %add3A, %select_n3A_29 : vector<1000x16xf32>
    %slice3A_31 = vector.extract_strided_slice %add3A_30 {offsets = [0, 7], sizes = [1000, 1], strides = [1, 1]} : vector<1000x16xf32> to vector<1000x1xf32>
    %add3A_32 = arith.constant 1.000000e-16 : f32
    %add3A_33 = vector.broadcast %add3A_32 : f32 to vector<1000x1xf32>
    %add3A_34 = arith.addf %slice3A_31, %add3A_33 : vector<1000x1xf32>
    %div3A = vector.broadcast %add3A_34 : vector<1000x1xf32> to vector<1000x16xf32>
    %div3A_35 = arith.divf %add3A_30, %div3A : vector<1000x16xf32>
    %get3A_36 = arith.constant 0 : index
    %get3A_37 = arith.constant 0 : index
    %get3A_38 = vector.load %arg4[%get3A_36, %get3A_37] : memref<1x16xf32, #tpu.memory_space<vmem>>, vector<1x16xf32>
    %add3A_39 = vector.broadcast %get3A_38 : vector<1x16xf32> to vector<1000x16xf32>
    %add3A_40 = arith.addf %div3A_35, %add3A_39 : vector<1000x16xf32>
    %lt3A_41 = arith.constant 7 : i32
    %lt3A_42 = vector.broadcast %lt3A_41 : i32 to vector<1000x16xi32>
    %lt3A_43 = arith.cmpi slt, %iota3A, %lt3A_42 : vector<1000x16xi32>
    %jit3A_44 = arith.constant -1.000000e+30 : f32
    %broadcast_in_dim3A_45 = vector.broadcast %jit3A_44 : f32 to vector<1000x16xf32>
    %select_n3A_46 = arith.select %lt3A_43, %add3A_40, %broadcast_in_dim3A_45 : vector<1000x16xi1>, vector<1000x16xf32>
    %reduce_max3A = arith.constant dense<0xFF800000> : vector<1000xf32>
    %reduce_max3A_47 = vector.multi_reduction <maximumf>, %select_n3A_46, %reduce_max3A [1] : vector<1000x16xf32> to vector<1000xf32>
    %broadcast_in_dim3A_48 = vector.shape_cast %reduce_max3A_47 : vector<1000xf32> to vector<1000x1xf32>
    %sub3A_49 = vector.broadcast %broadcast_in_dim3A_48 : vector<1000x1xf32> to vector<1000x16xf32>
    %sub3A_50 = arith.subf %select_n3A_46, %sub3A_49 : vector<1000x16xf32>
    %exp3A_51 = math.exp %sub3A_50 : vector<1000x16xf32>
    %reduce_sum3A = arith.constant dense<0.000000e+00> : vector<1000xf32>
    %reduce_sum3A_52 = vector.multi_reduction <add>, %exp3A_51, %reduce_sum3A [1] : vector<1000x16xf32> to vector<1000xf32>
    %broadcast_in_dim3A_53 = vector.shape_cast %reduce_sum3A_52 : vector<1000xf32> to vector<1000x1xf32>
    %sub3A_54 = vector.broadcast %broadcast_in_dim3A_48 : vector<1000x1xf32> to vector<1000x16xf32>
    %sub3A_55 = arith.subf %select_n3A_46, %sub3A_54 : vector<1000x16xf32>
    %log3A = math.log %broadcast_in_dim3A_53 : vector<1000x1xf32>
    %sub3A_56 = vector.broadcast %log3A : vector<1000x1xf32> to vector<1000x16xf32>
    %sub3A_57 = arith.subf %sub3A_55, %sub3A_56 : vector<1000x16xf32>
    %slice3A_58 = vector.extract_strided_slice %sub3A_57 {offsets = [0, 0], sizes = [1000, 7], strides = [1, 1]} : vector<1000x16xf32> to vector<1000x7xf32>
    %swap3A = arith.constant 0 : index
    %swap3A_59 = arith.constant 0 : index
    %swap3A_60 = vector.load %arg5[%swap3A, %swap3A_59] : memref<1000x7xf32, #tpu.memory_space<vmem>>, vector<1000x7xf32>
    tpu.vector_store %arg5[%swap3A, %swap3A_59], %slice3A_58 {strides = array<i32>} : memref<1000x7xf32, #tpu.memory_space<vmem>>, vector<1000x7xf32>,
    return
  }
  func.func @transform_0(%arg0: i32) -> (i32, i32, i32) {
    %c0_i32 = arith.constant 0 : i32
    %c0_i32_0 = arith.constant 0 : i32
    %c0_i32_1 = arith.constant 0 : i32
    return %c0_i32, %arg0, %c0_i32_0 : i32, i32, i32
  }
  func.func @transform_1(%arg0: i32) -> (i32, i32) {
    %c0_i32 = arith.constant 0 : i32
    %c0_i32_0 = arith.constant 0 : i32
    return %arg0, %c0_i32 : i32, i32
  }
  func.func @transform_2(%arg0: i32) -> (i32, i32) {
    %c0_i32 = arith.constant 0 : i32
    %c0_i32_0 = arith.constant 0 : i32
    %c0_i32_1 = arith.constant 0 : i32
    return %c0_i32, %c0_i32_0 : i32, i32
  }
  func.func @transform_3(%arg0: i32) -> (i32, i32) {
    %c0_i32 = arith.constant 0 : i32
    %c0_i32_0 = arith.constant 0 : i32
    %c0_i32_1 = arith.constant 0 : i32
    return %c0_i32, %c0_i32_0 : i32, i32
  }
  func.func @transform_4(%arg0: i32) -> (i32, i32) {
    %c0_i32 = arith.constant 0 : i32
    %c0_i32_0 = arith.constant 0 : i32
    return %arg0, %c0_i32 : i32, i32
  }
}

</mosaic_0001>

<sc_bundles>
// kernel: kernel.10.cloned.1.call-start
scs
__scs_entry_jumppad:
0x0: {  	(pc) =	sbr.rel $0x88, $3  }
0x1: {  	(tag) =	ssettag $0x0;
	lr =	simm.s32 $0x1  }
0x2: {  	[smem:$0x3F97] =	sst lr;
	_ =	strace $0xD0000000  }
0x3: {  	_ = 	snop  }
0x4: {  	_ = 	snop  }
0x5: {  	_ = 	snop  }
0x6: {  	_ = 	snop  }
0x7: {  	_ = 	snop  }
__scs_overlays_trampoline_lowered:
0x8: {  	[smem:$0x3FA6] =	sst s0  }
0x9: {  	[smem:$0x3FA7] =	sst s1  }
0xa: {  	[smem:$0x3FA8] =	sst s2  }
0xb: {  	[smem:$0x3FA9] =	sst s3  }
0xc: {  	[smem:$0x3FAA] =	sst s4  }
0xd: {  	[smem:$0x3FAB] =	sst s5  }
0xe: {  	[smem:$0x3FAC] =	sst s6  }
0xf: {  	[smem:$0x3FAD] =	sst s7  }
0x10: {  	[smem:$0x3FAE] =	sst s8  }
0x11: {  	[smem:$0x3FAF] =	sst s9;
	s0 =	simm.s32 @!p0 $0x0  }
0x12: {  	s1 =	sld [smem:$0x3F95];
	s0 =	simm.s32 @p0 $0x1  }
0x13: {  	[smem:$0x3FB0] =	sst s0;
	s0 =	simm.s32 @!p1 $0x0  }
0x14: {  	s2 =	sld [smem:$0x3F94];
	s0 =	simm.s32 @p1 $0x1  }
0x15: {  	[smem:$0x3FB1] =	sst s0;
	s0 =	simm.s32 @!p2 $0x0  }
0x16: {  	s3 =	sld [smem:$0x3FDB];
	s0 =	simm.s32 @p2 $0x1  }
0x17: {  	s4 =	simm.s32 $0x1BF5;
	[smem:$0x3FB3] =	sst s0  }
0x18: {  	s0 =	sld [smem:$0x3F96];
	_ =	swait.ge [sflag:s4], $0x0  }
0x19: {  	s7 =	sld [smem:$0x3F97]  }
0x1a: {  	s8 =	sadd.s32 $0xFFFFE003, lr  }
0x1b: {  	s9 =	sadd.s32 $0xFFFFFEF7, lr;
	s5 =	simm.s32 $0xFFFFFFFF;
	p2 =	slt.u32 s8, $0xFFFFF086  }
0x1c: {  	p1 =	slt.u32 s9, $0xF7A;
	s5 =	simm.s32 @!p2 $0x0  }
0x1d: {  	s5 =	simm.s32 @p1 $0x1;
	p0 =	seq.s32 s7, s2  }
0x1e: {  	s7 =	smul.u32 @!p0 $0xF7A, s2;
	p2 =	seq.s32 @!p0 s5, $0x0  }
0x1f: {  	s9 =	smul.u32 $0xF7A, s1;
	s8 =	simm.s32 @!p0 $0x1BF5;
	p2 =	por !p2, p0  }
0x20: {  	[sflag:s8] =	ssyncset.s32 @!p0 $0xFFFFF086;
	s6 =	sadd.s32 @!p0 s3, s7;
	s7 =	simm.s32 @!p0 $0x108  }
0x21: {  	s3 =	sadd.s32 s3, s9;
	s6 =	sadd.s32 @!p0 $0x88, s6;
	s7 =	simm.s32 @p2 $0x1082  }
0x22: {  	[simem:s7], [sflag:s8] =	dma.local @!p0 [hbm:s6], $0xF7A  }
0x23: {  	s9 =	sor.u32 $0xD0000000, s2;
	s6 =	simm.s32 $0x108;
	_ =	swait.ge @!p0 [sflag:s8], $0x0  }
0x24: {  	s3 =	sadd.s32 $0x88, s3;
	s6 =	simm.s32 @!p1 $0x1082;
	[sflag:s4] =	ssyncset.s32 $0xFFFFF086  }
0x25: {  	[simem:s6], [sflag:s4] =	dma.local [hbm:s3], $0xF7A  }
0x26: {  	[smem:$0x3F97] =	sst s1;
	(tag) =	ssettag s2;
	_ =	strace s9  }
0x27: {  	s1 =	sld [smem:$0x3FA7]  }
0x28: {  	s2 =	sld [smem:$0x3FA8]  }
0x29: {  	s4 =	sld [smem:$0x3FAA]  }
0x2a: {  	p0 =	seq.s32 s5, $0x0;
	s5 =	sld [smem:$0x3FAB]  }
0x2b: {  	s6 =	sld [smem:$0x3FAC]  }
0x2c: {  	s7 =	sld [smem:$0x3FAD]  }
0x2d: {  	s3 =	simm.s32 $0x108;
	s8 =	sld [smem:$0x3FAE]  }
0x2e: {  	s3 =	simm.s32 @!p0 $0x1082;
	s9 =	sld [smem:$0x3FAF]  }
0x2f: {  	lr =	sadd.s32 s0, s3;
	s0 =	sld [smem:$0x3FA6]  }
0x30: {  	s3 =	sld [smem:$0x3FA9]  }
0x31: {  	[smem:$0x3FB2] =	sst s10  }
0x32: {  	s10 =	sld [smem:$0x3FB0];
	_ =	sdelay $0x3  }
0x33: {  	p0 =	seq.s32 s10, $0x1;
	s10 =	sld [smem:$0x3FB2];
	_ =	sdelay $0x3  }
0x34: {  	[smem:$0x3FB2] =	sst s10  }
0x35: {  	s10 =	sld [smem:$0x3FB1];
	_ =	sdelay $0x3  }
0x36: {  	p1 =	seq.s32 s10, $0x1;
	s10 =	sld [smem:$0x3FB2];
	_ =	sdelay $0x3  }
0x37: {  	[smem:$0x3FB2] =	sst s10  }
0x38: {  	s10 =	sld [smem:$0x3FB3]  }
0x39: {  	_ = 	snop;
	(pc) =	sbr.ind lr, $3  }
0x3a: {  	_ = 	snop  }
0x3b: {  	_ = 	snop  }
0x3c: {  	p2 =	seq.s32 s10, $0x1;
	s10 =	sld [smem:$0x3FB2]  }
0x3d: {  	_ =	shalt  }
0x3e: {  	_ =	shalt  }
0x3f: {  	_ =	shalt  }
0x40: {  	_ =	shalt  }
0x41: {  	_ =	shalt  }
0x42: {  	_ =	shalt  }
0x43: {  	_ =	shalt  }
0x44: {  	_ =	shalt  }
0x45: {  	_ =	shalt  }
0x46: {  	_ =	shalt  }
0x47: {  	_ =	shalt  }
0x48: {  	_ =	shalt  }
0x49: {  	_ =	shalt  }
0x4a: {  	_ =	shalt  }
0x4b: {  	_ =	shalt  }
0x4c: {  	_ =	shalt  }
0x4d: {  	_ =	shalt  }
0x4e: {  	_ =	shalt  }
0x4f: {  	_ =	shalt  }
0x50: {  	_ =	shalt  }
0x51: {  	_ =	shalt  }
0x52: {  	_ =	shalt  }
0x53: {  	_ =	shalt  }
0x54: {  	_ =	shalt  }
0x55: {  	_ =	shalt  }
0x56: {  	_ =	shalt  }
0x57: {  	_ =	shalt  }
0x58: {  	_ =	shalt  }
0x59: {  	_ =	shalt  }
0x5a: {  	_ =	shalt  }
0x5b: {  	_ =	shalt  }
0x5c: {  	_ =	shalt  }
0x5d: {  	_ =	shalt  }
0x5e: {  	_ =	shalt  }
0x5f: {  	_ =	shalt  }
0x60: {  	_ =	shalt  }
0x61: {  	_ =	shalt  }
0x62: {  	_ =	shalt  }
0x63: {  	_ =	shalt  }
0x64: {  	_ =	shalt  }
0x65: {  	_ =	shalt  }
0x66: {  	_ =	shalt  }
0x67: {  	_ =	shalt  }
0x68: {  	_ =	shalt  }
0x69: {  	_ =	shalt  }
0x6a: {  	_ =	shalt  }
0x6b: {  	_ =	shalt  }
0x6c: {  	_ =	shalt  }
0x6d: {  	_ =	shalt  }
0x6e: {  	_ =	shalt  }
0x6f: {  	_ =	shalt  }
0x70: {  	_ =	shalt  }
0x71: {  	_ =	shalt  }
0x72: {  	_ =	shalt  }
0x73: {  	_ =	shalt  }
0x74: {  	_ =	shalt  }
0x75: {  	_ =	shalt  }
0x76: {  	_ =	shalt  }
0x77: {  	_ =	shalt  }
0x78: {  	_ =	shalt  }
0x79: {  	_ =	shalt  }
0x7a: {  	_ =	shalt  }
0x7b: {  	_ =	shalt  }
0x7c: {  	_ =	shalt  }
0x7d: {  	_ =	shalt  }
0x7e: {  	_ =	shalt  }
0x7f: {  	_ =	shalt  }
0x80: {  	_ =	shalt  }
0x81: {  	_ =	shalt  }
0x82: {  	_ =	shalt  }
0x83: {  	_ =	shalt  }
0x84: {  	_ =	shalt  }
0x85: {  	_ =	shalt  }
0x86: {  	_ =	shalt  }
0x87: {  	_ =	shalt  }
.Lfunc_end0:
.L_simem_size_0:
called_computation.1_lowered:
.L_overlay_start_0:
0x88: {  	s2 =	sld [smem:$0x3FD9]  }
0x89: {  	s3 =	sld [smem:$0x3FFE];
	_ =	sdelay $0x1  }
0x8a: {  	s1 =	srdreg.scid  }
0x8b: {  	s0 =	sand.u32 $0x1, s1  }
0x8c: {  	s17 =	sshll.u32 s0, $0xA;
	s2 =	sadd.s32 s3, s2  }
0x8d: {  	s2 =	sadd.s32 s2, s17  }
0x8e: {  	[smem:$0x3FBE] =	sst s2  }
0x8f: {  	_ = 	snop  }
0x90: {  	s2 =	sld [smem:$0x3FD0];
	(tm) =	ssettm $0x1  }
0x91: {  	s18 =	sld [smem:$0x3FFB];
	_ =	sdelay $0x3  }
0x92: {  	_ =	strace s18  }
0x93: {  	s3 =	sld [smem:$0x3FFC];
	_ =	sdelay $0x3  }
0x94: {  	_ =	strace s3  }
0x95: {  	s3 =	sld [smem:$0x3FFD];
	_ =	sdelay $0x3  }
0x96: {  	_ =	strace s3  }
0x97: {  	_ =	strace $0x8FFFFFFF  }
0x98: {  	s19 =	sld [smem:$0x3FDB];
	_ =	sdelay $0x1  }
0x99: {  	s4 =	simm.s32 $_scs_section_size  }
0x9a: {  	s5 =	simm.s32 $_size__tile_overlayer_lowered;
	s6 =	simm.s32 $_tile_overlayer_lowered  }
0x9b: {  	s22 =	simm.s32 $0x1BFF;
	s21 =	sshll.u32 s6, $0x1;
	s3 =	sadd.s32 s4, s19  }
0x9c: {  	s7 =	simm.s32 $0x0;
	s20 =	sshll.u32 s5, $0x1;
	s5 =	sadd.s32 s21, s3  }
0x9d: {  	[timem:s7], [sflag:s22] =	dma.local [hbm:s5], s20  }
0x9e: {  	_ =	swait.ge [sflag:s22], s20  }
0x9f: {  	s4 =	ssub.s32 $0x0, s20;
	[sflag:s22] =	ssyncset.done $0x0  }
0xa0: {  	[sflag:s22] =	ssyncadd.s32 s4;
	_ =	sdelay $0x1  }
0xa1: {  	s23 =	simm.s32 $0x1B8B  }
0xa2: {  	_ =	swait.ge [sflag:s23], $0x1  }
0xa3: {  	[sflag:s23] =	ssyncset.done $0x0  }
0xa4: {  	s25 =	simm.s32 $0x1B8E;
	s24 =	sld [smem:$0x3FFE];
	[sflag:s23] =	ssyncadd.s32 $0xFFFFFFFF  }
0xa5: {  	s26 =	simm.s32 $execute0_lowered;
	[smem:$0x3FD2] =	sst s25  }
0xa6: {  	s5 =	sshll.u32 s26, $0x1;
	_ =	strace $0x80000049;
	[dreg:$0x1] =	wrdreg $0xFFFFFFFF  }
0xa7: {  	s28 =	simm.s32 $_size_execute0_lowered;
	s3 =	sadd.s32 s3, s5;
	[dreg:$0x0] =	wrdreg $0x0  }
0xa8: {  	s5 =	sshll.u32 s28, $0x1;
	[dreg:$0x2] =	wrdreg s3  }
0xa9: {  	[dreg:$0x3] =	wrdreg s5  }
0xaa: {  	[dreg:$0x4] =	wrdreg $0xC0  }
0xab: {  	_ =	task [dreg:s7], $0x5FFFF  }
0xac: {  	[dreg:$0x1] =	wrdreg $0xFFFFFFFF  }
0xad: {  	[dreg:$0x0] =	wrdreg $0x60  }
0xae: {  	[dreg:$0x2] =	wrdreg s24  }
0xaf: {  	[dreg:$0x3] =	wrdreg s2  }
0xb0: {  	[dreg:$0x4] =	wrdreg $0x0  }
0xb1: {  	[dreg:$0x5] =	wrdreg $0x27100  }
0xb2: {  	[dreg:$0x6] =	wrdreg $0x9  }
0xb3: {  	_ =	task.clear_ibuf [dreg:s7], $0x7FFFF;
	_ =	strace $0x90000049  }
0xb4: {  	s29 =	simm.s32 $0x9;
	_ =	strace $0x8000004B  }
0xb5: {  	_ =	swait.ge [sflag:s29], $0x1  }
0xb6: {  	[sflag:s29] =	ssyncadd.s32 $0xFFFFFFFF  }
0xb7: {  	_ =	strace $0x9000004B  }
0xb8: {  	_ =	sfence  }
0xb9: {  	s30 =	sld [smem:$0x0];
	_ =	sdelay $0x2  }
0xba: {  	s31 =	sshll.u32 s1, $0xD;
	s1 =	sshrl.u32 s1, $0x2  }
0xbb: {  	s3 =	sand.u32 $0x4000, s31;
	s1 =	sadd.s32 s1, s30  }
0xbc: {  	s0 =	sor.u32 s3, s0;
	s1 =	sshll.u32 s1, $0x11  }
0xbd: {  	s0 =	sor.u32 s1, s0  }
0xbe: {  	s0 =	sadd.s32 $0x8F2B, s0  }
0xbf: {  	[sflag:s0] =	ssyncadd.remote.s32 $0x1  }
0xc0: {  	_ =	sfence.sel $0xFFFF  }
0xc1: {  	[dreg:$0x0] =	wrdreg $0xFFFFFFFF;
	(pc) =	sbr.abs _section_cstart, $3  }
0xc2: {  	[dreg:$0x1] =	wrdreg $0xFFFFFFFF  }
0xc3: {  	_ =	task.clear_ibuf [dreg:s7], $0x2FFFF;
	_ =	strace $0x9FFFFFFF  }
0xc4: {  	(tm) =	ssettm $0x7FFFFFFF  }
0xc5: {  	_ =	shalt  }
tec
execute0_lowered:
.L_overlay_start_1:
0x0: {  	(tag) =	ssettag $0x1  }
0x1: {  	s0 =	rddreg [dreg:$0x0]  }
0x2: {  	s2 =	rddreg [dreg:$0x2]  }
0x3: {  	s4 =	rddreg [dreg:$0x3]  }
0x4: {  	s1 =	simm.s32 $0x0;
	s19 =	stileid.u32;
	s3 =	srdreg.scid  }
0x5: {  	s28 =	simm.s32 $0x4EC0;
	s29 =	simm.s32 $0x58C0;
	s30 =	simm.s32 $0x0  }
0x6: {  	[smem:$0x7FF] =	sst s1;
	s22 =	smul.u32 $0x2700, s19;
	s3 =	sand.u32 $0x1, s3  }
0x7: {  	s6 =	sadd.s32 $0x24600, s0;
	s7 =	sadd.s32 $0x1A800, s0;
	s16 =	sadd.s32 $0xBE00, s0  }
0x8: {  	s24 =	sshll.u32 s19, $0x6;
	s11 =	sadd.s32 $0x6C00, s0;
	s12 =	sadd.s32 $0x27000, s4  }
0x9: {  	s13 =	sadd.s32 $0xBC00, s0;
	p0 =	sne.s32 s19, $0xF;
	_ =	strace $0x8000004A  }
0xa: {  	s8 =	ssub.s32 $0x2, s3;
	s23 =	sshll.u32 s3, $0x4;
	s3 =	smul.u32 $0x27100, s3  }
0xb: {  	s5 =	sshrl.u32 s22, $0x3;
	s9 =	sshrl.u32 s8, $0x1;
	s14 =	sor.u32 s19, s23  }
0xc: {  	s18 =	sadd.s32 s22, s2;
	s20 =	sadd.s32 s22, s4;
	s19 =	simm.s32 $0x1  }
0xd: {  	s23 =	simm.s32 $0x4E20;
	s5 =	sadd.s32 s5, s0;
	s17 =	ssub.s32 s8, s9  }
0xe: {  	s9 =	sor.u32 $0x1C01, s24;
	s1 =	sadd.s32 s22, s3;
	s26 =	sshrl.u32 s3, $0x3  }
0xf: {  	s14 =	smul.u32 $0x2710, s14;
	s18 =	sshrl.u32 s18, $0x3;
	s20 =	sshrl.u32 s20, $0x3  }
0x10: {  	s24 =	simm.s32 $0x4E70;
	s8 =	sadd.s32 $0x1E00, s5;
	s10 =	sadd.s32 $0x6E00, s5  }
0x11: {  	s5 =	sadd.s32 $0x27000, s2;
	s25 =	sshrl.u32 s1, $0x3;
	s31 =	sadd.s32 s16, s26  }
0x12: {  	s17 =	smax.u32 s17, $0x1;
	s26 =	simm.s32 $0x53C0;
	s15 =	sadd.s32 s16, s25  }
0x13: {  	vm0 =	vcmask $0x3F20;
	vm1 =	vmmov $0x7f;
	s16 =	sadd.s32 $0x4E00, s31;
	s22 =	sshrl.u32 @!p0 s5, $0x3;
	s25 =	simm.s32 $0x50  }
.LBB2_1:
0x14: {  	[spmem:s18], [sflag:s9] =	dma.local [hbm:s8], $0x4E0  }
0x15: {  	_ =	swait.ge [sflag:s19], $0x4E0  }
0x16: {  	[sflag:s19] =	ssyncset.done $0x0  }
0x17: {  	[sflag:s19] =	ssyncadd.s32 $0xFFFFFB20  }
0x18: {  	[spmem:s20], [sflag:s9] =	dma.local [hbm:s10], $0x4E0  }
0x19: {  	_ =	swait.ge [sflag:s19], $0x4E0  }
0x1a: {  	[sflag:s19] =	ssyncset.done $0x0  }
0x1b: {  	[sflag:s19] =	ssyncadd.s32 $0xFFFFFB20  }
0x1c: {  	s1 =	simm.s32 $0x0;
	s3 =	simm.s32 $0x5DC0;
	s0 =	rddreg [dreg:$0x1]  }
0x1d: {  	[tilespmem:s3], [sflag:$0x1] =	stream.linear.gather [hbm4b:s0+s1], $0x10, $0x38;
	[tilespmem:$0x5DD0] =	vst v63  }
0x1e: {  	_ =	swait.ge [sflag:s19], $0x10  }
0x1f: {  	[sflag:s19] =	ssyncset.done $0x0  }
0x20: {  	s0 =	simm.s32 @!p0 $0x1;
	[sflag:s19] =	ssyncadd.s32 $0xFFFFFFF0  }
0x21: {  	[spmem:s22], [sflag:s9] =	dma.local @!p0 [hbm:s11], $0x20  }
0x22: {  	_ =	swait.ge @!p0 [sflag:s0], $0x20  }
0x23: {  	[sflag:s0] =	ssyncset.done @!p0 $0x0  }
0x24: {  	s31 =	sshrl.u32 @!p0 s12, $0x3;
	[sflag:s0] =	ssyncadd.s32 @!p0 $0xFFFFFFE0  }
0x25: {  	[spmem:s31], [sflag:s9] =	dma.local @!p0 [hbm:s13], $0x20  }
0x26: {  	_ =	swait.ge @!p0 [sflag:s0], $0x20  }
0x27: {  	[sflag:s0] =	ssyncset.done @!p0 $0x0  }
0x28: {  	[sflag:s0] =	ssyncadd.s32 @!p0 $0xFFFFFFE0  }
0x29: {  	[bflag:$0x0] =	sbarrier.arrive $0xFFFF  }
0x2a: {  	s0 =	simm.s32 $0x0;
	v0 =	vld [tilespmem:$0x5DC0]  }
.LBB2_2:
0x2b: {  	s1 =	smul.u32 $0x50, s0;
	_ =	sdelay $0x1  }
0x2c: {  	s1 =	sadd.s32 s14, s1  }
0x2d: {  	s1 =	sshrl.u32 s1, $0x3  }
0x2e: {  	s5 =	simm.s32 $0x0;
	s3 =	sadd.s32 s6, s1  }
0x2f: {  	[tilespmem:s23], [sflag:$0x1] =	stream.linear.gather [hbm4b:s3+s5], $0x50, $0x38;
	[tilespmem:$0x5DD0] =	vst v63  }
0x30: {  	_ =	swait.ge [sflag:s19], $0x50  }
0x31: {  	[sflag:s19] =	ssyncset.done $0x0  }
0x32: {  	s1 =	sadd.s32 s7, s1;
	[sflag:s19] =	ssyncadd.s32 $0xFFFFFFB0  }
0x33: {  	[tilespmem:s24], [sflag:$0x1] =	stream.linear.gather [hbm4b:s1+s5], $0x50, $0x38;
	[tilespmem:$0x5DD0] =	vst v63  }
0x34: {  	_ =	swait.ge [sflag:s19], $0x50  }
0x35: {  	[sflag:s19] =	ssyncset.done $0x0  }
0x36: {  	s5 =	simm.s32 $0x4EC0;
	[sflag:s19] =	ssyncadd.s32 $0xFFFFFFB0  }
0x37: {  	[tilespmem:s5], [sflag:$0x1] =	stream.indirect.gather [spmem:s2], $0x10, s23, s25, $0xb8;
	[tilespmem:$0x5DD0] =	vst v63  }
0x38: {  	s21 =	simm.s32 $0x0;
	_ =	swait.ge [sflag:s19], $0x500  }
0x39: {  	v1 =	vmov s21;
	[sflag:s19] =	ssyncset.done $0x0  }
0x3a: {  	v2 =	vor.u32 $0x8, v1;
	[sflag:s19] =	ssyncadd.s32 $0xFFFFFB00  }
0x3b: {  	v1 =	vor.u32 $0x7, v1;
	[tilespmem:s26], [sflag:$0x1] =	stream.indirect.gather [spmem:s2], $0x10, s24, s25, $0xb8;
	[tilespmem:$0x5DD0] =	vst v63  }
0x3c: {  	_ =	swait.ge [sflag:s19], $0x500  }
0x3d: {  	[sflag:s19] =	ssyncset.done $0x0  }
0x3e: {  	[sflag:s19] =	ssyncadd.s32 $0xFFFFFB00  }
0x3f: {  	v2 =	vld.idx.msk [tilespmem:v2+s26+$0x0], $0xffff  }
0x40: {  	v1 =	vld.idx.msk [tilespmem:v1+s28+$0x0], $0xffff;
	_ =	sdelay $0x4  }
0x41: {  	v1 =	vadd.f32 v2, v1;
	_ =	sdelay $0x1  }
0x42: {  	v2 =	vmul.f32 $2.000000030e-01, v1;
	_ =	sdelay $0x1  }
0x43: {  	v1 =	vmax.f32 v1, v2  }
0x44: {  	v1 =	vsub.f32 v1, v0;
	_ =	sdelay $0x1  }
0x45: {  	v1 =	vmul.f32 $1.442695020e+00, v1;
	_ =	sdelay $0x1  }
0x46: {  	(erf) = vpow2.f32 v1;
	_ =	sdelay $0x4  }
0x47: {  	v1 =	vld [tilespmem:s5+$0x0];
	_ =	sdelay $0x1  }
0x48: {  	s5 =	simm.s32 $0x10  }
0x49: {  	v2 =	vmov s5  }
0x4a: {  	v3 =	vor.u32 $0x8, v2;
	v4 =	vpop (erf)  }
0x4b: {  	v2 =	vor.u32 $0x7, v2;
	v1 =	vmul.f32 v4, v1  }
0x4c: {  	v4 =	vsel vm0, $0x0, v4  }
0x4d: {  	s3 =	simm.s32 $0x58C0;
	v1 =	vsel vm1, v1, v4  }
0x4e: {  	[tilespmem:s3+$0x0] =	vst v1  }
0x4f: {  	v1 =	vld.idx.msk [tilespmem:v3+s26+$0x0], $0xffff  }
0x50: {  	v2 =	vld.idx.msk [tilespmem:v2+s28+$0x0], $0xffff;
	_ =	sdelay $0x4  }
0x51: {  	v1 =	vadd.f32 v1, v2;
	_ =	sdelay $0x1  }
0x52: {  	v2 =	vmul.f32 $2.000000030e-01, v1;
	_ =	sdelay $0x1  }
0x53: {  	v1 =	vmax.f32 v1, v2  }
0x54: {  	v1 =	vsub.f32 v1, v0;
	_ =	sdelay $0x1  }
0x55: {  	v1 =	vmul.f32 $1.442695020e+00, v1;
	_ =	sdelay $0x1  }
0x56: {  	(erf) = vpow2.f32 v1;
	_ =	sdelay $0x3  }
0x57: {  	s1 =	simm.s32 $0x4ED0  }
0x58: {  	v1 =	vld [tilespmem:s1+$0x0];
	_ =	sdelay $0x1  }
0x59: {  	s21 =	simm.s32 $0x20  }
0x5a: {  	s5 =	simm.s32 $0x3;
	v2 =	vmov s21  }
.LBB2_3:
0x5b: {  	p1 =	sne.s32 s5, $0x4F;
	v3 =	vor.u32 $0x8, v2;
	v4 =	vpop (erf)  }
0x5c: {  	v2 =	vor.u32 $0x7, v2;
	v1 =	vmul.f32 v4, v1  }
0x5d: {  	v4 =	vsel vm0, $0x0, v4  }
0x5e: {  	s3 =	sadd.s32 $0x10, s3;
	v1 =	vsel vm1, v1, v4  }
0x5f: {  	[tilespmem:s3+$0x0] =	vst v1  }
0x60: {  	v1 =	vld.idx.msk [tilespmem:v3+s26+$0x0], $0xffff  }
0x61: {  	v2 =	vld.idx.msk [tilespmem:v2+s28+$0x0], $0xffff;
	_ =	sdelay $0x5  }
0x62: {  	v1 =	vadd.f32 v1, v2;
	_ =	sdelay $0x1  }
0x63: {  	v2 =	vmul.f32 $2.000000030e-01, v1;
	_ =	sdelay $0x1  }
0x64: {  	v1 =	vmax.f32 v1, v2  }
0x65: {  	v1 =	vsub.f32 v1, v0;
	_ =	sdelay $0x1  }
0x66: {  	v1 =	vmul.f32 $1.442695020e+00, v1;
	_ =	sdelay $0x1  }
0x67: {  	(erf) = vpow2.f32 v1;
	_ =	sdelay $0x3  }
.Ltmp0:
0x68: {  	s1 =	sadd.s32 $0x10, s1;
	(pc) =	sbr.rel @p1 .LBB2_3-.Ltmp0, $3  }
0x69: {  	v1 =	vld [tilespmem:s1+$0x0];
	_ =	sdelay $0x1  }
0x6a: {  	s21 =	sshll.u32 s5, $0x4  }
0x6b: {  	s5 =	sadd.s32 $0x1, s5;
	v2 =	vmov s21  }
0x6c: {  	v3 =	vor.u32 $0x8, v2;
	v4 =	vpop (erf)  }
0x6d: {  	v2 =	vor.u32 $0x7, v2;
	v1 =	vmul.f32 v4, v1  }
0x6e: {  	v4 =	vsel vm0, $0x0, v4  }
0x6f: {  	s3 =	sadd.s32 $0x10, s3;
	v1 =	vsel vm1, v1, v4  }
0x70: {  	[tilespmem:s3+$0x0] =	vst v1  }
0x71: {  	v1 =	vld.idx.msk [tilespmem:v3+s26+$0x0], $0xffff  }
0x72: {  	v2 =	vld.idx.msk [tilespmem:v2+s28+$0x0], $0xffff;
	_ =	sdelay $0x4  }
0x73: {  	v1 =	vadd.f32 v1, v2;
	_ =	sdelay $0x1  }
0x74: {  	v2 =	vmul.f32 $2.000000030e-01, v1;
	_ =	sdelay $0x1  }
0x75: {  	v1 =	vmax.f32 v1, v2  }
0x76: {  	v1 =	vsub.f32 v1, v0;
	_ =	sdelay $0x1  }
0x77: {  	v1 =	vmul.f32 $1.442695020e+00, v1;
	_ =	sdelay $0x1  }
0x78: {  	(erf) = vpow2.f32 v1;
	_ =	sdelay $0x3  }
0x79: {  	s1 =	sadd.s32 $0x10, s1  }
0x7a: {  	v1 =	vld [tilespmem:s1+$0x0];
	_ =	sdelay $0x3  }
0x7b: {  	v2 =	vpop (erf)  }
0x7c: {  	v1 =	vmul.f32 v2, v1  }
0x7d: {  	s0 =	sadd.s32 $0x1, s0;
	v2 =	vsel vm0, $0x0, v2  }
0x7e: {  	s21 =	sadd.s32 $0x10, s3;
	p1 =	sne.s32 s0, $0x7D;
	v1 =	vsel vm1, v1, v2  }
.Ltmp1:
0x7f: {  	[tilespmem:s21+$0x0] =	vst v1;
	(pc) =	sbr.rel @p1 .LBB2_2-.Ltmp1, $4  }
0x80: {  	[spmem:s4] =	stream.indirect.scatter.add.f32 [tilespmem:s29], [sflag:$0x1], $0x10, s24, s25, $0xb8;
	[tilespmem:$0x5DD0] =	vst v63  }
0x81: {  	_ =	swait.ge [sflag:s19], $0x500  }
0x82: {  	[sflag:s19] =	ssyncset.done $0x0  }
0x83: {  	[sflag:s19] =	ssyncadd.s32 $0xFFFFFB00  }
0x84: {  	[bflag:$0x0] =	sbarrier.arrive $0xFFFF  }
0x85: {  	[hbm:s15], [sflag:s9] =	dma.local [spmem:s20], $0x4E0  }
0x86: {  	s30 =	sadd.s32 $0x1, s30;
	_ =	swait.ge [sflag:s19], $0x4E0  }
0x87: {  	p1 =	sne.s32 s30, s17;
	[sflag:s19] =	ssyncset.done $0x0  }
.Ltmp2:
0x88: {  	s0 =	simm.s32 @!p0 $0x1;
	[sflag:s19] =	ssyncadd.s32 $0xFFFFFB20;
	(pc) =	sbr.rel @p1 .LBB2_1-.Ltmp2, $4  }
0x89: {  	[hbm:s16], [sflag:s9] =	dma.local @!p0 [spmem:s31], $0x20  }
0x8a: {  	_ =	swait.ge @!p0 [sflag:s0], $0x20  }
0x8b: {  	[sflag:s0] =	ssyncset.done @!p0 $0x0  }
0x8c: {  	[sflag:s0] =	ssyncadd.s32 @!p0 $0xFFFFFFE0  }
0x8d: {  	_ =	sfence.sel $0x180000  }
0x8e: {  	[bflag:$0x0] =	sbarrier.arrive $0xFFFF  }
0x8f: {  	_ =	strace $0x9000004A  }
0x90: {  	s0 =	stileid.u32;
	[bflag:$0x2] =	sbarrier.arrive $0xFFFF  }
0x91: {  	p0 =	sne.s32 s0, $0x0;
	s0 =	rddreg [dreg:$0x4]  }
0x92: {  	s0 =	sadd.s32 @!p0 $0x100000, s0  }
0x93: {  	[sflag:s0] =	ssyncadd.tile.s32 @!p0 $0x1;
	_ =	shalt  }
.Lfunc_end2:
_tile_overlayer_lowered:
.L_overlay_start_2:
0x94: {  	(tag) =	ssettag $0x2  }
0x95: {  	s0 =	rddreg [dreg:$0x0];
	s2 =	stileid.u32  }
0x96: {  	s1 =	rddreg [dreg:$0x1];
	p0 =	sne.s32 s2, $0x0  }
0x97: {  	s3 =	rddreg [dreg:$0x2];
	[bflag:$0x3] =	sbarrier.arrive $0xFFFF;
	s2 =	simm.s32 @!p0 $0x1C01  }
0x98: {  	[timem:s3], [sflag:s2] =	dma.local @!p0 [hbm:s0], s1  }
0x99: {  	s0 =	simm.s32 @!p0 $0x1  }
0x9a: {  	_ =	swait.ge @!p0 [sflag:s0], s1  }
0x9b: {  	s1 =	ssub.s32 @!p0 $0x0, s1;
	[sflag:s0] =	ssyncset.done @!p0 $0x0  }
0x9c: {  	[sflag:s0] =	ssyncadd.s32 @!p0 s1  }
0x9d: {  	[bflag:$0x3] =	sbarrier.arrive $0xFFFF  }
0x9e: {  	_ =	shalt  }

// kernel: kernel.7.cloned.1.call-start
scs
__scs_entry_jumppad:
0x0: {  	(pc) =	sbr.rel $0x88, $3  }
0x1: {  	(tag) =	ssettag $0x0;
	lr =	simm.s32 $0x1  }
0x2: {  	[smem:$0x3F97] =	sst lr;
	_ =	strace $0xD0000000  }
0x3: {  	_ = 	snop  }
0x4: {  	_ = 	snop  }
0x5: {  	_ = 	snop  }
0x6: {  	_ = 	snop  }
0x7: {  	_ = 	snop  }
__scs_overlays_trampoline_lowered:
0x8: {  	[smem:$0x3FA6] =	sst s0  }
0x9: {  	[smem:$0x3FA7] =	sst s1  }
0xa: {  	[smem:$0x3FA8] =	sst s2  }
0xb: {  	[smem:$0x3FA9] =	sst s3  }
0xc: {  	[smem:$0x3FAA] =	sst s4  }
0xd: {  	[smem:$0x3FAB] =	sst s5  }
0xe: {  	[smem:$0x3FAC] =	sst s6  }
0xf: {  	[smem:$0x3FAD] =	sst s7  }
0x10: {  	[smem:$0x3FAE] =	sst s8  }
0x11: {  	[smem:$0x3FAF] =	sst s9;
	s0 =	simm.s32 @!p0 $0x0  }
0x12: {  	s1 =	sld [smem:$0x3F95];
	s0 =	simm.s32 @p0 $0x1  }
0x13: {  	[smem:$0x3FB0] =	sst s0;
	s0 =	simm.s32 @!p1 $0x0  }
0x14: {  	s2 =	sld [smem:$0x3F94];
	s0 =	simm.s32 @p1 $0x1  }
0x15: {  	[smem:$0x3FB1] =	sst s0;
	s0 =	simm.s32 @!p2 $0x0  }
0x16: {  	s3 =	sld [smem:$0x3FDB];
	s0 =	simm.s32 @p2 $0x1  }
0x17: {  	s4 =	simm.s32 $0x1BF5;
	[smem:$0x3FB3] =	sst s0  }
0x18: {  	s0 =	sld [smem:$0x3F96];
	_ =	swait.ge [sflag:s4], $0x0  }
0x19: {  	s7 =	sld [smem:$0x3F97]  }
0x1a: {  	s8 =	sadd.s32 $0xFFFFE003, lr  }
0x1b: {  	s9 =	sadd.s32 $0xFFFFFEF7, lr;
	s5 =	simm.s32 $0xFFFFFFFF;
	p2 =	slt.u32 s8, $0xFFFFF086  }
0x1c: {  	p1 =	slt.u32 s9, $0xF7A;
	s5 =	simm.s32 @!p2 $0x0  }
0x1d: {  	s5 =	simm.s32 @p1 $0x1;
	p0 =	seq.s32 s7, s2  }
0x1e: {  	s7 =	smul.u32 @!p0 $0xF7A, s2;
	p2 =	seq.s32 @!p0 s5, $0x0  }
0x1f: {  	s9 =	smul.u32 $0xF7A, s1;
	s8 =	simm.s32 @!p0 $0x1BF5;
	p2 =	por !p2, p0  }
0x20: {  	[sflag:s8] =	ssyncset.s32 @!p0 $0xFFFFF086;
	s6 =	sadd.s32 @!p0 s3, s7;
	s7 =	simm.s32 @!p0 $0x108  }
0x21: {  	s3 =	sadd.s32 s3, s9;
	s6 =	sadd.s32 @!p0 $0x88, s6;
	s7 =	simm.s32 @p2 $0x1082  }
0x22: {  	[simem:s7], [sflag:s8] =	dma.local @!p0 [hbm:s6], $0xF7A  }
0x23: {  	s9 =	sor.u32 $0xD0000000, s2;
	s6 =	simm.s32 $0x108;
	_ =	swait.ge @!p0 [sflag:s8], $0x0  }
0x24: {  	s3 =	sadd.s32 $0x88, s3;
	s6 =	simm.s32 @!p1 $0x1082;
	[sflag:s4] =	ssyncset.s32 $0xFFFFF086  }
0x25: {  	[simem:s6], [sflag:s4] =	dma.local [hbm:s3], $0xF7A  }
0x26: {  	[smem:$0x3F97] =	sst s1;
	(tag) =	ssettag s2;
	_ =	strace s9  }
0x27: {  	s1 =	sld [smem:$0x3FA7]  }
0x28: {  	s2 =	sld [smem:$0x3FA8]  }
0x29: {  	s4 =	sld [smem:$0x3FAA]  }
0x2a: {  	p0 =	seq.s32 s5, $0x0;
	s5 =	sld [smem:$0x3FAB]  }
0x2b: {  	s6 =	sld [smem:$0x3FAC]  }
0x2c: {  	s7 =	sld [smem:$0x3FAD]  }
0x2d: {  	s3 =	simm.s32 $0x108;
	s8 =	sld [smem:$0x3FAE]  }
0x2e: {  	s3 =	simm.s32 @!p0 $0x1082;
	s9 =	sld [smem:$0x3FAF]  }
0x2f: {  	lr =	sadd.s32 s0, s3;
	s0 =	sld [smem:$0x3FA6]  }
0x30: {  	s3 =	sld [smem:$0x3FA9]  }
0x31: {  	[smem:$0x3FB2] =	sst s10  }
0x32: {  	s10 =	sld [smem:$0x3FB0];
	_ =	sdelay $0x3  }
0x33: {  	p0 =	seq.s32 s10, $0x1;
	s10 =	sld [smem:$0x3FB2];
	_ =	sdelay $0x3  }
0x34: {  	[smem:$0x3FB2] =	sst s10  }
0x35: {  	s10 =	sld [smem:$0x3FB1];
	_ =	sdelay $0x3  }
0x36: {  	p1 =	seq.s32 s10, $0x1;
	s10 =	sld [smem:$0x3FB2];
	_ =	sdelay $0x3  }
0x37: {  	[smem:$0x3FB2] =	sst s10  }
0x38: {  	s10 =	sld [smem:$0x3FB3]  }
0x39: {  	_ = 	snop;
	(pc) =	sbr.ind lr, $3  }
0x3a: {  	_ = 	snop  }
0x3b: {  	_ = 	snop  }
0x3c: {  	p2 =	seq.s32 s10, $0x1;
	s10 =	sld [smem:$0x3FB2]  }
0x3d: {  	_ =	shalt  }
0x3e: {  	_ =	shalt  }
0x3f: {  	_ =	shalt  }
0x40: {  	_ =	shalt  }
0x41: {  	_ =	shalt  }
0x42: {  	_ =	shalt  }
0x43: {  	_ =	shalt  }
0x44: {  	_ =	shalt  }
0x45: {  	_ =	shalt  }
0x46: {  	_ =	shalt  }
0x47: {  	_ =	shalt  }
0x48: {  	_ =	shalt  }
0x49: {  	_ =	shalt  }
0x4a: {  	_ =	shalt  }
0x4b: {  	_ =	shalt  }
0x4c: {  	_ =	shalt  }
0x4d: {  	_ =	shalt  }
0x4e: {  	_ =	shalt  }
0x4f: {  	_ =	shalt  }
0x50: {  	_ =	shalt  }
0x51: {  	_ =	shalt  }
0x52: {  	_ =	shalt  }
0x53: {  	_ =	shalt  }
0x54: {  	_ =	shalt  }
0x55: {  	_ =	shalt  }
0x56: {  	_ =	shalt  }
0x57: {  	_ =	shalt  }
0x58: {  	_ =	shalt  }
0x59: {  	_ =	shalt  }
0x5a: {  	_ =	shalt  }
0x5b: {  	_ =	shalt  }
0x5c: {  	_ =	shalt  }
0x5d: {  	_ =	shalt  }
0x5e: {  	_ =	shalt  }
0x5f: {  	_ =	shalt  }
0x60: {  	_ =	shalt  }
0x61: {  	_ =	shalt  }
0x62: {  	_ =	shalt  }
0x63: {  	_ =	shalt  }
0x64: {  	_ =	shalt  }
0x65: {  	_ =	shalt  }
0x66: {  	_ =	shalt  }
0x67: {  	_ =	shalt  }
0x68: {  	_ =	shalt  }
0x69: {  	_ =	shalt  }
0x6a: {  	_ =	shalt  }
0x6b: {  	_ =	shalt  }
0x6c: {  	_ =	shalt  }
0x6d: {  	_ =	shalt  }
0x6e: {  	_ =	shalt  }
0x6f: {  	_ =	shalt  }
0x70: {  	_ =	shalt  }
0x71: {  	_ =	shalt  }
0x72: {  	_ =	shalt  }
0x73: {  	_ =	shalt  }
0x74: {  	_ =	shalt  }
0x75: {  	_ =	shalt  }
0x76: {  	_ =	shalt  }
0x77: {  	_ =	shalt  }
0x78: {  	_ =	shalt  }
0x79: {  	_ =	shalt  }
0x7a: {  	_ =	shalt  }
0x7b: {  	_ =	shalt  }
0x7c: {  	_ =	shalt  }
0x7d: {  	_ =	shalt  }
0x7e: {  	_ =	shalt  }
0x7f: {  	_ =	shalt  }
0x80: {  	_ =	shalt  }
0x81: {  	_ =	shalt  }
0x82: {  	_ =	shalt  }
0x83: {  	_ =	shalt  }
0x84: {  	_ =	shalt  }
0x85: {  	_ =	shalt  }
0x86: {  	_ =	shalt  }
0x87: {  	_ =	shalt  }
.Lfunc_end0:
.L_simem_size_0:
called_computation_lowered:
.L_overlay_start_0:
0x88: {  	s2 =	sld [smem:$0x3FD9]  }
0x89: {  	s3 =	sld [smem:$0x3FFE];
	_ =	sdelay $0x1  }
0x8a: {  	s1 =	srdreg.scid  }
0x8b: {  	s0 =	sand.u32 $0x1, s1  }
0x8c: {  	s17 =	sshll.u32 s0, $0xA;
	s2 =	sadd.s32 s3, s2  }
0x8d: {  	s2 =	sadd.s32 s2, s17  }
0x8e: {  	[smem:$0x3FBE] =	sst s2  }
0x8f: {  	_ = 	snop  }
0x90: {  	s2 =	sld [smem:$0x3FD0];
	(tm) =	ssettm $0x1  }
0x91: {  	s18 =	sld [smem:$0x3FFB];
	_ =	sdelay $0x3  }
0x92: {  	_ =	strace s18  }
0x93: {  	s3 =	sld [smem:$0x3FFC];
	_ =	sdelay $0x3  }
0x94: {  	_ =	strace s3  }
0x95: {  	s3 =	sld [smem:$0x3FFD];
	_ =	sdelay $0x3  }
0x96: {  	_ =	strace s3  }
0x97: {  	_ =	strace $0x8FFFFFFF  }
0x98: {  	s19 =	sld [smem:$0x3FDB];
	_ =	sdelay $0x1  }
0x99: {  	s4 =	simm.s32 $_scs_section_size  }
0x9a: {  	s5 =	simm.s32 $_size__tile_overlayer_lowered;
	s6 =	simm.s32 $_tile_overlayer_lowered  }
0x9b: {  	s22 =	simm.s32 $0x1BFF;
	s21 =	sshll.u32 s6, $0x1;
	s3 =	sadd.s32 s4, s19  }
0x9c: {  	s7 =	simm.s32 $0x0;
	s20 =	sshll.u32 s5, $0x1;
	s5 =	sadd.s32 s21, s3  }
0x9d: {  	[timem:s7], [sflag:s22] =	dma.local [hbm:s5], s20  }
0x9e: {  	_ =	swait.ge [sflag:s22], s20  }
0x9f: {  	s4 =	ssub.s32 $0x0, s20;
	[sflag:s22] =	ssyncset.done $0x0  }
0xa0: {  	[sflag:s22] =	ssyncadd.s32 s4;
	_ =	sdelay $0x1  }
0xa1: {  	s23 =	simm.s32 $0x1B8B  }
0xa2: {  	_ =	swait.ge [sflag:s23], $0x1  }
0xa3: {  	[sflag:s23] =	ssyncset.done $0x0  }
0xa4: {  	s25 =	simm.s32 $0x1B8E;
	s24 =	sld [smem:$0x3FFE];
	[sflag:s23] =	ssyncadd.s32 $0xFFFFFFFF  }
0xa5: {  	s26 =	simm.s32 $execute0_lowered;
	[smem:$0x3FD2] =	sst s25  }
0xa6: {  	s5 =	sshll.u32 s26, $0x1;
	_ =	strace $0x80000046;
	[dreg:$0x1] =	wrdreg $0xFFFFFFFF  }
0xa7: {  	s28 =	simm.s32 $_size_execute0_lowered;
	s3 =	sadd.s32 s3, s5;
	[dreg:$0x0] =	wrdreg $0x0  }
0xa8: {  	s5 =	sshll.u32 s28, $0x1;
	[dreg:$0x2] =	wrdreg s3  }
0xa9: {  	[dreg:$0x3] =	wrdreg s5  }
0xaa: {  	[dreg:$0x4] =	wrdreg $0xC0  }
0xab: {  	_ =	task [dreg:s7], $0x5FFFF  }
0xac: {  	[dreg:$0x1] =	wrdreg $0xFFFFFFFF  }
0xad: {  	[dreg:$0x0] =	wrdreg $0x60  }
0xae: {  	[dreg:$0x2] =	wrdreg s24  }
0xaf: {  	[dreg:$0x3] =	wrdreg s2  }
0xb0: {  	[dreg:$0x4] =	wrdreg $0x0  }
0xb1: {  	[dreg:$0x5] =	wrdreg $0x9C400  }
0xb2: {  	[dreg:$0x6] =	wrdreg $0xC3500  }
0xb3: {  	[dreg:$0x7] =	wrdreg $0x9  }
0xb4: {  	_ =	task.clear_ibuf [dreg:s7], $0x8FFFF;
	_ =	strace $0x90000046  }
0xb5: {  	s29 =	simm.s32 $0x9;
	_ =	strace $0x80000048  }
0xb6: {  	_ =	swait.ge [sflag:s29], $0x1  }
0xb7: {  	[sflag:s29] =	ssyncadd.s32 $0xFFFFFFFF  }
0xb8: {  	_ =	strace $0x90000048  }
0xb9: {  	_ =	sfence  }
0xba: {  	s30 =	sld [smem:$0x0];
	_ =	sdelay $0x2  }
0xbb: {  	s31 =	sshll.u32 s1, $0xD;
	s1 =	sshrl.u32 s1, $0x2  }
0xbc: {  	s3 =	sand.u32 $0x4000, s31;
	s1 =	sadd.s32 s1, s30  }
0xbd: {  	s0 =	sor.u32 s3, s0;
	s1 =	sshll.u32 s1, $0x11  }
0xbe: {  	s0 =	sor.u32 s1, s0  }
0xbf: {  	s0 =	sadd.s32 $0x8F2B, s0  }
0xc0: {  	[sflag:s0] =	ssyncadd.remote.s32 $0x1  }
0xc1: {  	_ =	sfence.sel $0xFFFF  }
0xc2: {  	[dreg:$0x0] =	wrdreg $0xFFFFFFFF;
	(pc) =	sbr.abs _section_cstart, $3  }
0xc3: {  	[dreg:$0x1] =	wrdreg $0xFFFFFFFF  }
0xc4: {  	_ =	task.clear_ibuf [dreg:s7], $0x2FFFF;
	_ =	strace $0x9FFFFFFF  }
0xc5: {  	(tm) =	ssettm $0x7FFFFFFF  }
tec
execute0_lowered:
.L_overlay_start_1:
0x0: {  	(tag) =	ssettag $0x1  }
0x1: {  	s0 =	rddreg [dreg:$0x0]  }
0x2: {  	s2 =	rddreg [dreg:$0x2]  }
0x3: {  	s4 =	rddreg [dreg:$0x3]  }
0x4: {  	s5 =	rddreg [dreg:$0x4];
	s1 =	simm.s32 $0x0  }
0x5: {  	s17 =	stileid.u32;
	s10 =	srdreg.scid;
	s29 =	simm.s32 $0x186A0  }
0x6: {  	s30 =	simm.s32 $0x186F0;
	s31 =	simm.s32 $0x50;
	s19 =	smul.u32 $0x9C00, s17  }
0x7: {  	[smem:$0x7FF] =	sst s1;
	s3 =	smul.u32 $0x2700, s17;
	s7 =	sadd.s32 $0x24600, s0  }
0x8: {  	s9 =	smul.u32 $0xC300, s17;
	s8 =	sadd.s32 $0x1A800, s0;
	s13 =	sand.u32 $0x1, s10  }
0x9: {  	s14 =	sadd.s32 $0x46C00, s0;
	s20 =	sshll.u32 s17, $0x6;
	s25 =	sadd.s32 $0x15600, s0  }
0xa: {  	s26 =	sadd.s32 $0x1A600, s0;
	s28 =	sadd.s32 $0xC3000, s5;
	s18 =	sadd.s32 $0x46A00, s0  }
0xb: {  	p0 =	sne.s32 s17, $0xF;
	_ =	strace $0x80000047;
	[dreg:$0xa] =	wrdreg s25  }
0xc: {  	s10 =	ssub.s32 $0x2, s13;
	s16 =	sshll.u32 s13, $0x4;
	[dreg:$0xb] =	wrdreg s26  }
0xd: {  	s22 =	smul.u32 $0xC3500, s13;
	[dreg:$0xd] =	wrdreg s28;
	s26 =	simm.s32 $0x1  }
0xe: {  	s6 =	sshrl.u32 s19, $0x3;
	s11 =	sshrl.u32 s3, $0x3;
	s12 =	sshrl.u32 s9, $0x3  }
0xf: {  	s15 =	sshrl.u32 s10, $0x1;
	s16 =	sor.u32 s17, s16;
	s1 =	sadd.s32 s19, s2  }
0x10: {  	s3 =	sadd.s32 s3, s4;
	s23 =	sadd.s32 s9, s5;
	s6 =	sadd.s32 s6, s0  }
0x11: {  	s11 =	sadd.s32 s11, s0;
	s12 =	sadd.s32 s12, s0;
	s15 =	ssub.s32 s10, s15  }
0x12: {  	s10 =	sor.u32 $0x1C01, s20;
	[dreg:$0x8] =	wrdreg s23;
	s9 =	sadd.s32 s9, s22  }
0x13: {  	s19 =	smul.u32 $0x2710, s16;
	s23 =	sshrl.u32 s3, $0x3;
	s0 =	simm.s32 $0x18C40  }
0x14: {  	v0 =	vimm.s32 $0xFEDCBA98;
	s3 =	simm.s32 $0x19140;
	s6 =	sadd.s32 $0x1E00, s6;
	s21 =	sadd.s32 $0x15800, s11  }
0x15: {  	v1 =	vimm.s32 $0x76543210;
	v0 =	vunpack.c.l.s4.s8 v0;
	s24 =	sadd.s32 $0x2E400, s12;
	s11 =	sadd.s32 $0x9C000, s2;
	[dreg:$0x6] =	wrdreg s6  }
0x16: {  	v1 =	vunpack.c.l.s4.s8 v1;
	s12 =	sadd.s32 $0x27000, s4;
	s9 =	sshrl.u32 s9, $0x3;
	[dreg:$0x7] =	wrdreg s21  }
0x17: {  	v2 =	vlaneseq.u32;
	v0 =	vunpack.c.0.s8.s32 v0;
	[dreg:$0x9] =	wrdreg s24;
	s6 =	sshrl.u32 s22, $0x3;
	s9 =	sadd.s32 s14, s9  }
0x18: {  	v4 =	vshrl.u32 v2, $0x3;
	v1 =	vunpack.c.0.s8.s32 v1;
	s21 =	smax.u32 s15, $0x1;
	s22 =	sshrl.u32 s1, $0x3;
	s24 =	sshrl.u32 @!p0 s11, $0x3  }
0x19: {  	v2 =	vor.u32 $0x42, v4;
	v3 =	vor.u32 $0x44, v4;
	v0 =	vand.u32 $0xF, v0;
	s25 =	sshrl.u32 @!p0 s12, $0x3;
	s1 =	simm.s32 $0x1A540;
	s6 =	sadd.s32 s14, s6  }
0x1a: {  	v0 =	vcombine.low v0, v1;
	v1 =	vor.u32 $0x40, v4;
	v4 =	vor.u32 $0x46, v4;
	[dreg:$0xc] =	wrdreg s9;
	s20 =	sadd.s32 $0x18600, s6;
	s6 =	simm.s32 $0x0  }
.LBB2_1:
0x1b: {  	s9 =	rddreg [dreg:$0x6]  }
0x1c: {  	[spmem:s22], [sflag:s10] =	dma.local [hbm:s9], $0x1380  }
0x1d: {  	_ =	swait.ge [sflag:s26], $0x1380  }
0x1e: {  	[sflag:s26] =	ssyncset.done $0x0  }
0x1f: {  	s14 =	rddreg [dreg:$0x7];
	[sflag:s26] =	ssyncadd.s32 $0xFFFFEC80  }
0x20: {  	[spmem:s23], [sflag:s10] =	dma.local [hbm:s14], $0x4E0  }
0x21: {  	_ =	swait.ge [sflag:s26], $0x4E0  }
0x22: {  	[sflag:s26] =	ssyncset.done $0x0;
	s15 =	rddreg [dreg:$0x8]  }
0x23: {  	s16 =	rddreg [dreg:$0x9];
	[sflag:s26] =	ssyncadd.s32 $0xFFFFFB20;
	s28 =	sshrl.u32 s15, $0x3  }
0x24: {  	[spmem:s28], [sflag:s10] =	dma.local [hbm:s16], $0x1860  }
0x25: {  	_ =	swait.ge [sflag:s26], $0x1860  }
0x26: {  	[sflag:s26] =	ssyncset.done $0x0  }
0x27: {  	[sflag:s26] =	ssyncadd.s32 $0xFFFFE7A0  }
0x28: {  	s11 =	simm.s32 $0x0;
	s12 =	simm.s32 $0x1BE40;
	s17 =	rddreg [dreg:$0x1]  }
0x29: {  	[tilespmem:s12], [sflag:$0x1] =	stream.linear.gather [hbm4b:s17+s11], $0x10, $0x38;
	[tilespmem:$0x1BE50] =	vst v63  }
0x2a: {  	_ =	swait.ge [sflag:s26], $0x10  }
0x2b: {  	[sflag:s26] =	ssyncset.done $0x0  }
0x2c: {  	s11 =	simm.s32 @!p0 $0x1;
	s9 =	rddreg [dreg:$0xa];
	[sflag:s26] =	ssyncadd.s32 $0xFFFFFFF0  }
0x2d: {  	[spmem:s24], [sflag:s10] =	dma.local @!p0 [hbm:s9], $0x80  }
0x2e: {  	_ =	swait.ge @!p0 [sflag:s11], $0x80  }
0x2f: {  	[sflag:s11] =	ssyncset.done @!p0 $0x0  }
0x30: {  	s9 =	rddreg [dreg:$0xb];
	[sflag:s11] =	ssyncadd.s32 @!p0 $0xFFFFFF80  }
0x31: {  	[spmem:s25], [sflag:s10] =	dma.local @!p0 [hbm:s9], $0x20  }
0x32: {  	_ =	swait.ge @!p0 [sflag:s11], $0x20  }
0x33: {  	[sflag:s11] =	ssyncset.done @!p0 $0x0;
	s9 =	rddreg [dreg:$0xd]  }
0x34: {  	[sflag:s11] =	ssyncadd.s32 @!p0 $0xFFFFFFE0;
	s9 =	sshrl.u32 @!p0 s9, $0x3  }
0x35: {  	[spmem:s9], [sflag:s10] =	dma.local @!p0 [hbm:s18], $0xA0  }
0x36: {  	_ =	swait.ge @!p0 [sflag:s11], $0xA0  }
0x37: {  	[sflag:s11] =	ssyncset.done @!p0 $0x0  }
0x38: {  	[sflag:s11] =	ssyncadd.s32 @!p0 $0xFFFFFF60  }
0x39: {  	[bflag:$0x0] =	sbarrier.arrive $0xFFFF  }
0x3a: {  	s11 =	simm.s32 $0x0;
	v5 =	vld [tilespmem:$0x1BE40]  }
.LBB2_2:
0x3b: {  	s12 =	smul.u32 $0x50, s11;
	_ =	sdelay $0x1  }
0x3c: {  	s12 =	sadd.s32 s19, s12  }
0x3d: {  	s12 =	sshrl.u32 s12, $0x3  }
0x3e: {  	s14 =	simm.s32 $0x0;
	s13 =	sadd.s32 s7, s12  }
0x3f: {  	[tilespmem:s29], [sflag:$0x1] =	stream.linear.gather [hbm4b:s13+s14], $0x50, $0x38;
	[tilespmem:$0x1BE50] =	vst v63  }
0x40: {  	_ =	swait.ge [sflag:s26], $0x50  }
0x41: {  	[sflag:s26] =	ssyncset.done $0x0  }
0x42: {  	s12 =	sadd.s32 s8, s12;
	[sflag:s26] =	ssyncadd.s32 $0xFFFFFFB0  }
0x43: {  	[tilespmem:s30], [sflag:$0x1] =	stream.linear.gather [hbm4b:s12+s14], $0x50, $0x38;
	[tilespmem:$0x1BE50] =	vst v63  }
0x44: {  	_ =	swait.ge [sflag:s26], $0x50  }
0x45: {  	[sflag:s26] =	ssyncset.done $0x0  }
0x46: {  	s12 =	simm.s32 $0x18740;
	[sflag:s26] =	ssyncadd.s32 $0xFFFFFFB0  }
0x47: {  	[tilespmem:s12], [sflag:$0x1] =	stream.indirect.gather [spmem:s4], $0x10, s29, s31, $0xb8;
	[tilespmem:$0x1BE50] =	vst v63  }
0x48: {  	_ =	swait.ge [sflag:s26], $0x500  }
0x49: {  	[sflag:s26] =	ssyncset.done $0x0  }
0x4a: {  	[sflag:s26] =	ssyncadd.s32 $0xFFFFFB00  }
0x4b: {  	[tilespmem:s0], [sflag:$0x1] =	stream.indirect.gather [spmem:s4], $0x10, s30, s31, $0xb8;
	[tilespmem:$0x1BE50] =	vst v63  }
0x4c: {  	v6 =	vmov s14;
	_ =	swait.ge [sflag:s26], $0x500  }
0x4d: {  	v7 =	vshll.u32 v6, $0x4;
	[sflag:s26] =	ssyncset.done $0x0  }
0x4e: {  	v7 =	vor.u32 v0, v7;
	[sflag:s26] =	ssyncadd.s32 $0xFFFFFB00  }
0x4f: {  	[tilespmem:s3], [sflag:$0x1] =	stream.indirect.gather [spmem:s2], $0x40, s29, s31, $0xb8;
	[tilespmem:$0x1BE50] =	vst v63  }
0x50: {  	_ =	swait.ge [sflag:s26], $0x1400  }
0x51: {  	[sflag:s26] =	ssyncset.done $0x0  }
0x52: {  	[sflag:s26] =	ssyncadd.s32 $0xFFFFEC00  }
0x53: {  	v7 =	vld.idx.msk [tilespmem:v7+s0+$0x0], $0xffff  }
0x54: {  	v8 =	vld [tilespmem:s12+$0x0];
	_ =	sdelay $0x4  }
0x55: {  	v7 =	vadd.f32 v7, v8;
	_ =	sdelay $0x1  }
0x56: {  	v8 =	vmul.f32 $2.000000030e-01, v7;
	_ =	sdelay $0x1  }
0x57: {  	v7 =	vmax.f32 v7, v8  }
0x58: {  	v7 =	vsub.f32 v7, v5;
	_ =	sdelay $0x1  }
0x59: {  	v7 =	vmul.f32 $1.442695020e+00, v7;
	_ =	sdelay $0x1  }
0x5a: {  	(erf) = vpow2.f32 v7;
	_ =	sdelay $0x3  }
0x5b: {  	v6 =	vmul.u32 $0x50, v6;
	_ =	sdelay $0x1  }
0x5c: {  	v7 =	vadd.s32 v1, v6;
	_ =	sdelay $0x2  }
0x5d: {  	s13 =	simm.s32 $0x1A560;
	v8 =	vpop (erf)  }
0x5e: {  	[tilespmem:s13+$0x20] =	vst v8  }
0x5f: {  	s16 =	simm.s32 $0x19160;
	v7 =	vld.idx.msk [tilespmem:v7+s1+$0x0], $0xffff  }
0x60: {  	v8 =	vld [tilespmem:s16+$0xFFFFFFE0];
	_ =	sdelay $0x2  }
0x61: {  	v9 =	vadd.s32 v2, v6;
	_ =	sdelay $0x1  }
0x62: {  	v7 =	vmul.f32 v8, v7;
	_ =	sdelay $0x1  }
0x63: {  	[tilespmem:s13+$0xFFFFFFE0] =	vst v7  }
0x64: {  	v7 =	vld.idx.msk [tilespmem:v9+s1+$0x0], $0xffff  }
0x65: {  	v8 =	vld [tilespmem:s16+$0xFFFFFFF0];
	_ =	sdelay $0x2  }
0x66: {  	v9 =	vadd.s32 v3, v6;
	_ =	sdelay $0x1  }
0x67: {  	v7 =	vmul.f32 v8, v7;
	_ =	sdelay $0x1  }
0x68: {  	[tilespmem:s13+$0xFFFFFFF0] =	vst v7  }
0x69: {  	v7 =	vld.idx.msk [tilespmem:v9+s1+$0x0], $0xffff  }
0x6a: {  	v8 =	vld [tilespmem:s16+$0x0];
	_ =	sdelay $0x2  }
0x6b: {  	v6 =	vadd.s32 v4, v6;
	_ =	sdelay $0x1  }
0x6c: {  	v7 =	vmul.f32 v8, v7;
	_ =	sdelay $0x1  }
0x6d: {  	[tilespmem:s13+$0x0] =	vst v7  }
0x6e: {  	v8 =	vld.idx.msk [tilespmem:v6+s1+$0x0], $0xffff  }
0x6f: {  	v9 =	vld [tilespmem:s16+$0x10]  }
0x70: {  	s17 =	simm.s32 $0x1  }
0x71: {  	v6 =	vmov s17  }
0x72: {  	v7 =	vshll.u32 v6, $0x4  }
0x73: {  	v7 =	vor.u32 v0, v7  }
0x74: {  	v8 =	vmul.f32 v9, v8  }
0x75: {  	s15 =	simm.s32 $0x2;
	s14 =	simm.s32 $0x191A0;
	v6 =	vmul.u32 $0x50, v6  }
.LBB2_3:
0x76: {  	[tilespmem:s13+$0x10] =	vst v8;
	s13 =	sadd.s32 $0x50, s13  }
0x77: {  	s12 =	sadd.s32 $0x10, s12;
	s16 =	smov.u32 s15;
	s17 =	sadd.s32 $0x1, s15  }
0x78: {  	p1 =	sne.s32 s15, $0x4F;
	v7 =	vld.idx.msk [tilespmem:v7+s0+$0x0], $0xffff  }
0x79: {  	v8 =	vld [tilespmem:s12+$0x0];
	_ =	sdelay $0x4  }
0x7a: {  	v7 =	vadd.f32 v7, v8;
	_ =	sdelay $0x1  }
0x7b: {  	v8 =	vmul.f32 $2.000000030e-01, v7;
	_ =	sdelay $0x1  }
0x7c: {  	v7 =	vmax.f32 v7, v8  }
0x7d: {  	v7 =	vsub.f32 v7, v5;
	_ =	sdelay $0x1  }
0x7e: {  	v7 =	vmul.f32 $1.442695020e+00, v7;
	_ =	sdelay $0x1  }
0x7f: {  	(erf) = vpow2.f32 v7;
	_ =	sdelay $0x5  }
0x80: {  	v7 =	vadd.s32 v1, v6;
	_ =	sdelay $0x2  }
0x81: {  	v8 =	vpop (erf)  }
0x82: {  	[tilespmem:s13+$0x20] =	vst v8  }
0x83: {  	v7 =	vld.idx.msk [tilespmem:v7+s1+$0x0], $0xffff  }
0x84: {  	v8 =	vld [tilespmem:s14+$0xFFFFFFE0];
	_ =	sdelay $0x2  }
0x85: {  	v9 =	vadd.s32 v2, v6;
	_ =	sdelay $0x1  }
0x86: {  	v7 =	vmul.f32 v8, v7;
	_ =	sdelay $0x1  }
0x87: {  	[tilespmem:s13+$0xFFFFFFE0] =	vst v7  }
0x88: {  	v7 =	vld.idx.msk [tilespmem:v9+s1+$0x0], $0xffff  }
0x89: {  	v8 =	vld [tilespmem:s14+$0xFFFFFFF0];
	_ =	sdelay $0x2  }
0x8a: {  	v9 =	vadd.s32 v3, v6;
	_ =	sdelay $0x1  }
0x8b: {  	v7 =	vmul.f32 v8, v7;
	_ =	sdelay $0x1  }
0x8c: {  	[tilespmem:s13+$0xFFFFFFF0] =	vst v7  }
0x8d: {  	v7 =	vld.idx.msk [tilespmem:v9+s1+$0x0], $0xffff  }
0x8e: {  	v8 =	vld [tilespmem:s14+$0x0];
	_ =	sdelay $0x2  }
0x8f: {  	v6 =	vadd.s32 v4, v6;
	_ =	sdelay $0x1  }
0x90: {  	v7 =	vmul.f32 v8, v7;
	_ =	sdelay $0x1  }
0x91: {  	[tilespmem:s13+$0x0] =	vst v7  }
0x92: {  	v8 =	vld.idx.msk [tilespmem:v6+s1+$0x0], $0xffff  }
0x93: {  	v9 =	vld [tilespmem:s14+$0x10]  }
0x94: {  	v6 =	vmov s16  }
.Ltmp0:
0x95: {  	v7 =	vshll.u32 v6, $0x4;
	v6 =	vmul.u32 $0x50, v6;
	(pc) =	sbr.rel @p1 .LBB2_3-.Ltmp0, $3  }
0x96: {  	v7 =	vor.u32 v0, v7;
	_ =	sdelay $0x1  }
0x97: {  	v8 =	vmul.f32 v9, v8  }
0x98: {  	s15 =	smov.u32 s17;
	s14 =	sadd.s32 $0x40, s14  }
0x99: {  	_ =	sdelay $0x2  }
0x9a: {  	[tilespmem:s13+$0x10] =	vst v8  }
0x9b: {  	s12 =	sadd.s32 $0x10, s12;
	v7 =	vld.idx.msk [tilespmem:v7+s0+$0x0], $0xffff  }
0x9c: {  	v8 =	vld [tilespmem:s12+$0x0];
	_ =	sdelay $0x4  }
0x9d: {  	v7 =	vadd.f32 v7, v8;
	_ =	sdelay $0x1  }
0x9e: {  	v8 =	vmul.f32 $2.000000030e-01, v7;
	_ =	sdelay $0x1  }
0x9f: {  	v7 =	vmax.f32 v7, v8  }
0xa0: {  	v7 =	vsub.f32 v7, v5;
	_ =	sdelay $0x1  }
0xa1: {  	v7 =	vmul.f32 $1.442695020e+00, v7;
	_ =	sdelay $0x1  }
0xa2: {  	(erf) = vpow2.f32 v7;
	_ =	sdelay $0x5  }
0xa3: {  	v7 =	vadd.s32 v1, v6;
	_ =	sdelay $0x2  }
0xa4: {  	s17 =	sadd.s32 $0x50, s13;
	v60 =	vpop (erf)  }
0xa5: {  	[tilespmem:s17+$0x20] =	vst v60  }
0xa6: {  	v7 =	vld.idx.msk [tilespmem:v7+s1+$0x0], $0xffff  }
0xa7: {  	v8 =	vld [tilespmem:s14+$0xFFFFFFE0];
	_ =	sdelay $0x2  }
0xa8: {  	v9 =	vadd.s32 v2, v6;
	_ =	sdelay $0x1  }
0xa9: {  	v7 =	vmul.f32 v8, v7;
	_ =	sdelay $0x1  }
0xaa: {  	[tilespmem:s17+$0xFFFFFFE0] =	vst v7  }
0xab: {  	v7 =	vld.idx.msk [tilespmem:v9+s1+$0x0], $0xffff  }
0xac: {  	v61 =	vld [tilespmem:s14+$0xFFFFFFF0];
	_ =	sdelay $0x2  }
0xad: {  	v62 =	vadd.s32 v3, v6;
	_ =	sdelay $0x1  }
0xae: {  	v7 =	vmul.f32 v61, v7;
	_ =	sdelay $0x1  }
0xaf: {  	[tilespmem:s17+$0xFFFFFFF0] =	vst v7  }
0xb0: {  	v7 =	vld.idx.msk [tilespmem:v62+s1+$0x0], $0xffff  }
0xb1: {  	v63 =	vld [tilespmem:s14+$0x0];
	_ =	sdelay $0x2  }
0xb2: {  	v6 =	vadd.s32 v4, v6;
	_ =	sdelay $0x1  }
0xb3: {  	v7 =	vmul.f32 v63, v7;
	_ =	sdelay $0x1  }
0xb4: {  	[tilespmem:s17+$0x0] =	vst v7  }
0xb5: {  	v6 =	vld.idx.msk [tilespmem:v6+s1+$0x0], $0xffff  }
0xb6: {  	v7 =	vld [tilespmem:s14+$0x10];
	_ =	sdelay $0x4  }
0xb7: {  	s11 =	sadd.s32 $0x1, s11;
	v6 =	vmul.f32 v7, v6  }
0xb8: {  	p1 =	sne.s32 s11, $0x7D  }
.Ltmp1:
0xb9: {  	[tilespmem:s17+$0x10] =	vst v6;
	(pc) =	sbr.rel @p1 .LBB2_2-.Ltmp1, $4  }
0xba: {  	[spmem:s5] =	stream.indirect.scatter.add.f32 [tilespmem:s1], [sflag:$0x1], $0x50, s30, s31, $0xb8;
	[tilespmem:$0x1BE50] =	vst v63  }
0xbb: {  	_ =	swait.ge [sflag:s26], $0x1900  }
0xbc: {  	[sflag:s26] =	ssyncset.done $0x0  }
0xbd: {  	[sflag:s26] =	ssyncadd.s32 $0xFFFFE700  }
0xbe: {  	[bflag:$0x0] =	sbarrier.arrive $0xFFFF  }
0xbf: {  	s11 =	rddreg [dreg:$0xc]  }
0xc0: {  	[hbm:s11], [sflag:s10] =	dma.local [spmem:s28], $0x1860  }
0xc1: {  	_ =	swait.ge [sflag:s26], $0x1860  }
0xc2: {  	s6 =	sadd.s32 $0x1, s6;
	[sflag:s26] =	ssyncset.done $0x0  }
0xc3: {  	p1 =	sne.s32 s6, s21;
	[sflag:s26] =	ssyncadd.s32 $0xFFFFE7A0  }
0xc4: {  	[hbm:s20], [sflag:s10] =	dma.local @!p0 [spmem:s9], $0xA0  }
.Ltmp2:
0xc5: {  	_ = 	snop;
	(pc) =	sbr.rel @p1 .LBB2_1-.Ltmp2, $4  }
0xc6: {  	s9 =	simm.s32 @!p0 $0x1  }
0xc7: {  	_ =	swait.ge @!p0 [sflag:s9], $0xA0  }
0xc8: {  	[sflag:s9] =	ssyncset.done @!p0 $0x0  }
0xc9: {  	[sflag:s9] =	ssyncadd.s32 @!p0 $0xFFFFFF60  }
0xca: {  	_ =	sfence.sel $0x180000  }
0xcb: {  	[bflag:$0x0] =	sbarrier.arrive $0xFFFF  }
0xcc: {  	_ =	strace $0x90000047  }
0xcd: {  	s0 =	stileid.u32;
	[bflag:$0x2] =	sbarrier.arrive $0xFFFF  }
0xce: {  	p0 =	sne.s32 s0, $0x0;
	s0 =	rddreg [dreg:$0x5]  }
0xcf: {  	s0 =	sadd.s32 @!p0 $0x100000, s0  }
0xd0: {  	[sflag:s0] =	ssyncadd.tile.s32 @!p0 $0x1;
	_ =	shalt  }
.Lfunc_end2:
_tile_overlayer_lowered:
.L_overlay_start_2:
0xd1: {  	(tag) =	ssettag $0x2  }
0xd2: {  	s0 =	rddreg [dreg:$0x0];
	s2 =	stileid.u32  }
0xd3: {  	s1 =	rddreg [dreg:$0x1];
	p0 =	sne.s32 s2, $0x0  }
0xd4: {  	s3 =	rddreg [dreg:$0x2];
	[bflag:$0x3] =	sbarrier.arrive $0xFFFF;
	s2 =	simm.s32 @!p0 $0x1C01  }
0xd5: {  	[timem:s3], [sflag:s2] =	dma.local @!p0 [hbm:s0], s1  }
0xd6: {  	s0 =	simm.s32 @!p0 $0x1  }
0xd7: {  	_ =	swait.ge @!p0 [sflag:s0], s1  }
0xd8: {  	s1 =	ssub.s32 @!p0 $0x0, s1;
	[sflag:s0] =	ssyncset.done @!p0 $0x0  }
0xd9: {  	[sflag:s0] =	ssyncadd.s32 @!p0 s1  }
0xda: {  	[bflag:$0x3] =	sbarrier.arrive $0xFFFF  }
0xdb: {  	_ =	shalt  }

</sc_bundles>
